<compile_context>
chip_gen: v7x
topology: tpu7x:2x2x1
jax: 0.10.2.dev20260603
libtpu: 0.0.44.dev20260713+nightly
codegen_flags: <defaults>
</compile_context>

<pallas_src>
import jax
import jax.numpy as jnp
from jax import lax
from jax.experimental import pallas as pl
from jax.experimental.pallas import tpu as pltpu
from jax.experimental.pallas import tpu_sc as plsc

_K = 8
_ROW_TILE = 128
_GATHER_CHUNK = 128


def _topk_body(x_ref, pc_ref, idx_ref):
    x = x_ref[...]
    p = pc_ref[0]
    r, m = x.shape[0], p.shape[1]
    si = pl.program_id(0)
    xp = lax.dot_general(
        x, p, (((1,), (0,)), ((), ())),
        preferred_element_type=jnp.float32)
    x2 = jnp.sum(x * x, axis=1, keepdims=True)
    p2 = jnp.sum(p * p, axis=0, keepdims=True)
    d2 = (x2 + p2) - 2.0 * xp
    iota = lax.broadcasted_iota(jnp.int32, (r, m), 1)
    for k in range(_K):
        v = jnp.min(d2, axis=1, keepdims=True)
        idx = jnp.min(jnp.where(d2 == v, iota, m), axis=1, keepdims=True)
        idx_ref[0, :, k] = idx[:, 0] + si * m
        if k + 1 < _K:
            d2 = jnp.where(iota == idx, jnp.inf, d2)


def _topk_indices(inputs, pc_all):
    n, d = inputs.shape
    s, m = pc_all.shape[0], pc_all.shape[2]
    return pl.pallas_call(
        _topk_body,
        grid=(s, n // _ROW_TILE),
        in_specs=[
            pl.BlockSpec((_ROW_TILE, d), lambda si, i: (i, 0)),
            pl.BlockSpec((1, d, m), lambda si, i: (si, 0, 0)),
        ],
        out_specs=pl.BlockSpec((1, _ROW_TILE, _K), lambda si, i: (si, i, 0)),
        out_shape=jax.ShapeDtypeStruct((s, n, _K), jnp.int32),
    )(inputs, pc_all)


def _gather_mean(table, idx_flat, num_out_rows, d):
    info = plsc.get_sparse_core_info()
    nc, ns = info.num_cores, info.num_subcores
    nw = nc * ns
    g_per_w = idx_flat.shape[0] // nw
    chunks = g_per_w // _GATHER_CHUNK
    rows_per_chunk = _GATHER_CHUNK // _K
    idx3 = idx_flat.reshape(nw, chunks, _GATHER_CHUNK)
    mesh = plsc.VectorSubcoreMesh(core_axis_name="c", subcore_axis_name="s")

    def body(table_hbm, idx_hbm, out_hbm, idx_v, rows_v, out_v, sem):
        wid = lax.axis_index("s") * nc + lax.axis_index("c")
        pltpu.sync_copy(idx_hbm.at[wid], idx_v)

        def chunk_body(j, carry):
            pltpu.async_copy(
                table_hbm.at[idx_v.at[j]], rows_v, sem).wait()

            def row_body(o, c2):
                base = o * _K
                for cch in range(d // 16):
                    sl = pl.ds(cch * 16, 16)
                    a = rows_v[base, sl]
                    for nn in range(1, _K):
                        a = a + rows_v[base + nn, sl]
                    out_v[o, sl] = a * (1.0 / _K)
                return c2

            lax.fori_loop(0, rows_per_chunk, row_body, 0)
            pltpu.sync_copy(
                out_v,
                out_hbm.at[pl.ds(wid * (chunks * rows_per_chunk)
                                 + j * rows_per_chunk, rows_per_chunk)])
            return carry

        lax.fori_loop(0, chunks, chunk_body, 0)

    return pl.kernel(
        body,
        out_type=jax.ShapeDtypeStruct((num_out_rows, d), jnp.float32),
        mesh=mesh,
        compiler_params=pltpu.CompilerParams(use_tc_tiling_on_sc=False),
        scratch_types=[
            pltpu.VMEM((chunks, _GATHER_CHUNK), jnp.int32),
            pltpu.VMEM((_GATHER_CHUNK, d), jnp.float32),
            pltpu.VMEM((rows_per_chunk, d), jnp.float32),
            pltpu.SemaphoreType.DMA,
        ],
    )(table, idx3)


def kernel(inputs, pc_feat0, pc_feat1, pc_feat2, pc_feat3):
    n, d = inputs.shape
    pc_all = jnp.concatenate([pc_feat0, pc_feat1, pc_feat2, pc_feat3], axis=0)
    s, m = pc_all.shape[0], pc_all.shape[2]
    idx = _topk_indices(inputs, pc_all)
    table = jnp.transpose(pc_all, (0, 2, 1)).reshape(s * m, d)
    means = _gather_mean(table, idx.reshape(-1), s * n, d)
    stages = means.reshape(s, n, d)
    return jnp.concatenate(
        [inputs, stages[0], stages[1], stages[2], stages[3]], axis=1)

# --- scband reference (transcript-rebuilt; emitter-appended) ---
"""Pipeline reference for scband-graph-projection-12249246729012 (READ-ONLY COPY).

The authoritative reference and input builder live on the scoring server;
editing this copy changes nothing except your own understanding.
"""

import jax, jax.numpy as jnp
import numpy as np

K_NEIGHBORS = 8


def _mean_neighborhood(coord, pc):
    # coord: (N, D) query points; pc: (1, D, M) point-cloud features (B=1)
    X = jnp.transpose(coord)[None, :, :]              # (1, D, N)  == tf.transpose(coord_expanded,[2,1,0])
    x2 = jnp.sum(X * X, axis=1)                       # (1, N)
    p2 = jnp.sum(pc * pc, axis=1)                     # (1, M)
    xp = jnp.einsum('bdn,bdm->bnm', X, pc)            # (1, N, M)
    d2 = x2[:, :, None] + p2[:, None, :] - 2.0 * xp   # squared L2 distances (brute-force kNN)
    _, knn = jax.lax.top_k(-d2, K_NEIGHBORS)          # (1, N, K) indices of K nearest keys
    Y = jnp.transpose(pc, (0, 2, 1))                  # (1, M, D)
    knnY = Y[0][knn[0]]                               # gather -> (N, K, D)
    return jnp.mean(knnY, axis=1)                     # (N, D)  == knnY_mean[0] with B=1


def setup_inputs(seed: int = 0) -> dict:
    key = jax.random.key(seed)
    k0, k1, k2, k3, k4 = jax.random.split(key, 5)
    N, D, M = 4096, 64, 16384
    return {
        'inputs': jax.random.normal(k0, (N, D), dtype=jnp.float32),
        'pc_feat0': jax.random.normal(k1, (1, D, M), dtype=jnp.float32),
        'pc_feat1': jax.random.normal(k2, (1, D, M), dtype=jnp.float32),
        'pc_feat2': jax.random.normal(k3, (1, D, M), dtype=jnp.float32),
        'pc_feat3': jax.random.normal(k4, (1, D, M), dtype=jnp.float32),
    }


def reference(inputs, pc_feat0, pc_feat1, pc_feat2, pc_feat3):
    stage_0 = _mean_neighborhood(inputs, pc_feat0)
    stage_1 = _mean_neighborhood(inputs, pc_feat1)
    stage_2 = _mean_neighborhood(inputs, pc_feat2)
    stage_3 = _mean_neighborhood(inputs, pc_feat3)
    return jnp.concatenate([inputs, stage_0, stage_1, stage_2, stage_3], axis=1)

if __name__ == "__main__":
    import jax
    _d = setup_inputs()
    print(jax.jit(kernel)(*tuple(_d.values())))

</pallas_src>

<mosaic_0001>
#map = affine_map<(d0, d1) -> (0, 0)>
#map1 = affine_map<(d0, d1) -> (0, 0, 0)>
module attributes {stable_mosaic.version = 14 : i64} {
  func.func @body(%arg0: i32, %arg1: i32, %arg2: memref<65536x64xf32, #tpu.memory_space<hbm>>, %arg3: memref<32x32x128xi32, #tpu.memory_space<hbm>>, %arg4: memref<16384x64xf32, #tpu.memory_space<hbm>>, %arg5: memref<32x128xi32, #tpu.memory_space<vmem>>, %arg6: memref<128x64xf32, #tpu.memory_space<vmem>>, %arg7: memref<16x64xf32, #tpu.memory_space<vmem>>, %arg8: memref<!tpu.dma_semaphore, #tpu.memory_space<semaphore_mem>>) attributes {dimension_semantics = [#tpu.dimension_semantics<core_parallel>, #tpu.dimension_semantics<subcore_parallel>], iteration_bounds = array<i64: 2, 16>, scalar_prefetch = 0 : i64, scratch_operands = 4 : i64, tpu.core_type = #tpu.core_type<sc_vector_subcore>, window_params = [{transform_indices = #map}, {transform_indices = #map1}, {transform_indices = #map}]} {
    %mul3A = arith.constant 2 : i32
    %mul3A_0 = arith.muli %arg1, %mul3A : i32
    %add3A = arith.addi %mul3A_0, %arg0 : i32
    "tpu.region"() ({
      %run_scoped3A = tpu.sem_alloc : memref<!tpu.dma_semaphore, #tpu.memory_space<semaphore_mem>>
      %dma_start3A = arith.constant 0 : i32
      %dma_start3A_6 = arith.constant 0 : i32
      %dma_start3A_7 = tpu.memref_slice %arg3[%add3A, %dma_start3A, %dma_start3A_6] : memref<32x32x128xi32, #tpu.memory_space<hbm>> -> memref<1x32x128xi32, #tpu.memory_space<hbm>>
      %dma_start3A_8 = tpu.memref_squeeze %dma_start3A_7 : memref<1x32x128xi32, #tpu.memory_space<hbm>> -> memref<32x128xi32, #tpu.memory_space<hbm>>
      %dma_start3A_9 = arith.constant 0 : i32
      %dma_start3A_10 = arith.constant 0 : i32
      %dma_start3A_11 = tpu.memref_slice %arg3[%add3A, %dma_start3A_9, %dma_start3A_10] : memref<32x32x128xi32, #tpu.memory_space<hbm>> -> memref<1x32x128xi32, #tpu.memory_space<hbm>>
      %dma_start3A_12 = tpu.memref_squeeze %dma_start3A_11 : memref<1x32x128xi32, #tpu.memory_space<hbm>> -> memref<32x128xi32, #tpu.memory_space<hbm>>
      tpu.enqueue_dma source(%dma_start3A_12 : memref<32x128xi32, #tpu.memory_space<hbm>>) target(%arg5 : memref<32x128xi32, #tpu.memory_space<vmem>>) target_semaphore(%run_scoped3A : memref<!tpu.dma_semaphore, #tpu.memory_space<semaphore_mem>>)
      %dma_wait3A = arith.constant 0 : i32
      %dma_wait3A_13 = arith.constant 0 : i32
      %dma_wait3A_14 = tpu.memref_slice %arg3[%add3A, %dma_wait3A, %dma_wait3A_13] : memref<32x32x128xi32, #tpu.memory_space<hbm>> -> memref<1x32x128xi32, #tpu.memory_space<hbm>>
      %dma_wait3A_15 = tpu.memref_squeeze %dma_wait3A_14 : memref<1x32x128xi32, #tpu.memory_space<hbm>> -> memref<32x128xi32, #tpu.memory_space<hbm>>
      %dma_wait3A_16 = arith.constant 0 : i32
      %dma_wait3A_17 = arith.constant 0 : i32
      %dma_wait3A_18 = tpu.memref_slice %arg3[%add3A, %dma_wait3A_16, %dma_wait3A_17] : memref<32x32x128xi32, #tpu.memory_space<hbm>> -> memref<1x32x128xi32, #tpu.memory_space<hbm>>
      %dma_wait3A_19 = tpu.memref_squeeze %dma_wait3A_18 : memref<1x32x128xi32, #tpu.memory_space<hbm>> -> memref<32x128xi32, #tpu.memory_space<hbm>>
      tpu.wait_dma2 semaphore(%run_scoped3A : memref<!tpu.dma_semaphore, #tpu.memory_space<semaphore_mem>>) src(%dma_wait3A_19 : memref<32x128xi32, #tpu.memory_space<hbm>>) dst(%arg5 : memref<32x128xi32, #tpu.memory_space<vmem>>)
      tpu.yield
    }) : () -> ()
    %scan3A = arith.constant 0 : i32
    %scan3A_1 = arith.constant 0 : i32
    %scan3A_2 = arith.constant 32 : i32
    %scan3A_3 = arith.addi %scan3A_1, %scan3A_2 : i32
    %scan3A_4 = arith.constant 1 : i32
    scf.for %scan3A_6 = %scan3A_1 to %scan3A_3 step %scan3A_4  : i32 {
      %dma_start3A = arith.constant 0 : i32
      %dma_start3A_7 = tpu.memref_slice %arg5[%scan3A_6, %dma_start3A] : memref<32x128xi32, #tpu.memory_space<vmem>> -> memref<1x128xi32, #tpu.memory_space<vmem>>
      %dma_start3A_8 = tpu.memref_squeeze %dma_start3A_7 : memref<1x128xi32, #tpu.memory_space<vmem>> -> memref<128xi32, #tpu.memory_space<vmem>>
      %dma_start3A_9 = arith.constant 0 : i32
      %dma_start3A_10 = arith.constant 0 : i32
      %dma_start3A_11 = tpu.memref_slice %arg2[%dma_start3A_9, %dma_start3A_10] : memref<65536x64xf32, #tpu.memory_space<hbm>> -> memref<65536x64xf32, #tpu.memory_space<hbm>>
      tpu.enqueue_indirect_dma source(%dma_start3A_11 : memref<65536x64xf32, #tpu.memory_space<hbm>>) target(%arg6 : memref<128x64xf32, #tpu.memory_space<vmem>>) offsets(%dma_start3A_8 : memref<128xi32, #tpu.memory_space<vmem>>) semaphore(%arg8 : memref<!tpu.dma_semaphore, #tpu.memory_space<semaphore_mem>>)
      %dma_wait3A = arith.constant 0 : i32
      %dma_wait3A_12 = tpu.memref_slice %arg5[%scan3A_6, %dma_wait3A] : memref<32x128xi32, #tpu.memory_space<vmem>> -> memref<1x128xi32, #tpu.memory_space<vmem>>
      %dma_wait3A_13 = tpu.memref_squeeze %dma_wait3A_12 : memref<1x128xi32, #tpu.memory_space<vmem>> -> memref<128xi32, #tpu.memory_space<vmem>>
      %dma_wait3A_14 = arith.constant 0 : i32
      %dma_wait3A_15 = arith.constant 0 : i32
      %dma_wait3A_16 = tpu.memref_slice %arg2[%dma_wait3A_14, %dma_wait3A_15] : memref<65536x64xf32, #tpu.memory_space<hbm>> -> memref<65536x64xf32, #tpu.memory_space<hbm>>
      tpu.wait_indirect_dma semaphore(%arg8 : memref<!tpu.dma_semaphore, #tpu.memory_space<semaphore_mem>>) src(%dma_wait3A_16 : memref<65536x64xf32, #tpu.memory_space<hbm>>) dst(%arg6 : memref<128x64xf32, #tpu.memory_space<vmem>>)
      %scan3A_17 = arith.constant 0 : i32
      %scan3A_18 = arith.constant 0 : i32
      %scan3A_19 = arith.constant 16 : i32
      %scan3A_20 = arith.addi %scan3A_18, %scan3A_19 : i32
      %scan3A_21 = arith.constant 1 : i32
      scf.for %scan3A_28 = %scan3A_18 to %scan3A_20 step %scan3A_21  : i32 {
        %mul3A_29 = arith.constant 8 : i32
        %mul3A_30 = arith.muli %scan3A_28, %mul3A_29 : i32
        %get3A = arith.index_cast %mul3A_30 : i32 to index
        %get3A_31 = arith.constant 0 : index
        %get3A_32 = tpu.vector_load %arg6[%get3A, %get3A_31] {strides = array<i32>} : memref<128x64xf32, #tpu.memory_space<vmem>>, vector<1x16xf32>,
        %get3A_33 = vector.shape_cast %get3A_32 : vector<1x16xf32> to vector<16xf32>
        %add3A_34 = arith.constant 1 : i32
        %add3A_35 = arith.addi %mul3A_30, %add3A_34 : i32
        %get3A_36 = arith.index_cast %add3A_35 : i32 to index
        %get3A_37 = arith.constant 0 : index
        %get3A_38 = tpu.vector_load %arg6[%get3A_36, %get3A_37] {strides = array<i32>} : memref<128x64xf32, #tpu.memory_space<vmem>>, vector<1x16xf32>,
        %get3A_39 = vector.shape_cast %get3A_38 : vector<1x16xf32> to vector<16xf32>
        %add3A_40 = arith.addf %get3A_33, %get3A_39 : vector<16xf32>
        %add3A_41 = arith.constant 2 : i32
        %add3A_42 = arith.addi %mul3A_30, %add3A_41 : i32
        %get3A_43 = arith.index_cast %add3A_42 : i32 to index
        %get3A_44 = arith.constant 0 : index
        %get3A_45 = tpu.vector_load %arg6[%get3A_43, %get3A_44] {strides = array<i32>} : memref<128x64xf32, #tpu.memory_space<vmem>>, vector<1x16xf32>,
        %get3A_46 = vector.shape_cast %get3A_45 : vector<1x16xf32> to vector<16xf32>
        %add3A_47 = arith.addf %add3A_40, %get3A_46 : vector<16xf32>
        %add3A_48 = arith.constant 3 : i32
        %add3A_49 = arith.addi %mul3A_30, %add3A_48 : i32
        %get3A_50 = arith.index_cast %add3A_49 : i32 to index
        %get3A_51 = arith.constant 0 : index
        %get3A_52 = tpu.vector_load %arg6[%get3A_50, %get3A_51] {strides = array<i32>} : memref<128x64xf32, #tpu.memory_space<vmem>>, vector<1x16xf32>,
        %get3A_53 = vector.shape_cast %get3A_52 : vector<1x16xf32> to vector<16xf32>
        %add3A_54 = arith.addf %add3A_47, %get3A_53 : vector<16xf32>
        %add3A_55 = arith.constant 4 : i32
        %add3A_56 = arith.addi %mul3A_30, %add3A_55 : i32
        %get3A_57 = arith.index_cast %add3A_56 : i32 to index
        %get3A_58 = arith.constant 0 : index
        %get3A_59 = tpu.vector_load %arg6[%get3A_57, %get3A_58] {strides = array<i32>} : memref<128x64xf32, #tpu.memory_space<vmem>>, vector<1x16xf32>,
        %get3A_60 = vector.shape_cast %get3A_59 : vector<1x16xf32> to vector<16xf32>
        %add3A_61 = arith.addf %add3A_54, %get3A_60 : vector<16xf32>
        %add3A_62 = arith.constant 5 : i32
        %add3A_63 = arith.addi %mul3A_30, %add3A_62 : i32
        %get3A_64 = arith.index_cast %add3A_63 : i32 to index
        %get3A_65 = arith.constant 0 : index
        %get3A_66 = tpu.vector_load %arg6[%get3A_64, %get3A_65] {strides = array<i32>} : memref<128x64xf32, #tpu.memory_space<vmem>>, vector<1x16xf32>,
        %get3A_67 = vector.shape_cast %get3A_66 : vector<1x16xf32> to vector<16xf32>
        %add3A_68 = arith.addf %add3A_61, %get3A_67 : vector<16xf32>
        %add3A_69 = arith.constant 6 : i32
        %add3A_70 = arith.addi %mul3A_30, %add3A_69 : i32
        %get3A_71 = arith.index_cast %add3A_70 : i32 to index
        %get3A_72 = arith.constant 0 : index
        %get3A_73 = tpu.vector_load %arg6[%get3A_71, %get3A_72] {strides = array<i32>} : memref<128x64xf32, #tpu.memory_space<vmem>>, vector<1x16xf32>,
        %get3A_74 = vector.shape_cast %get3A_73 : vector<1x16xf32> to vector<16xf32>
        %add3A_75 = arith.addf %add3A_68, %get3A_74 : vector<16xf32>
        %add3A_76 = arith.constant 7 : i32
        %add3A_77 = arith.addi %mul3A_30, %add3A_76 : i32
        %get3A_78 = arith.index_cast %add3A_77 : i32 to index
        %get3A_79 = arith.constant 0 : index
        %get3A_80 = tpu.vector_load %arg6[%get3A_78, %get3A_79] {strides = array<i32>} : memref<128x64xf32, #tpu.memory_space<vmem>>, vector<1x16xf32>,
        %get3A_81 = vector.shape_cast %get3A_80 : vector<1x16xf32> to vector<16xf32>
        %add3A_82 = arith.addf %add3A_75, %get3A_81 : vector<16xf32>
        %mul3A_83 = arith.constant 1.250000e-01 : f32
        %mul3A_84 = vector.broadcast %mul3A_83 : f32 to vector<16xf32>
        %mul3A_85 = arith.mulf %add3A_82, %mul3A_84 : vector<16xf32>
        %swap3A = arith.index_cast %scan3A_28 : i32 to index
        %swap3A_86 = arith.constant 0 : index
        %swap3A_87 = tpu.vector_load %arg7[%swap3A, %swap3A_86] {strides = array<i32>} : memref<16x64xf32, #tpu.memory_space<vmem>>, vector<1x16xf32>,
        %swap3A_88 = vector.shape_cast %swap3A_87 : vector<1x16xf32> to vector<16xf32>
        %swap3A_89 = vector.shape_cast %mul3A_85 : vector<16xf32> to vector<1x16xf32>
        tpu.vector_store %arg7[%swap3A, %swap3A_86], %swap3A_89 {strides = array<i32>} : memref<16x64xf32, #tpu.memory_space<vmem>>, vector<1x16xf32>,
        %get3A_90 = arith.index_cast %mul3A_30 : i32 to index
        %get3A_91 = arith.constant 16 : index
        %get3A_92 = tpu.vector_load %arg6[%get3A_90, %get3A_91] {strides = array<i32>} : memref<128x64xf32, #tpu.memory_space<vmem>>, vector<1x16xf32>,
        %get3A_93 = vector.shape_cast %get3A_92 : vector<1x16xf32> to vector<16xf32>
        %add3A_94 = arith.constant 1 : i32
        %add3A_95 = arith.addi %mul3A_30, %add3A_94 : i32
        %get3A_96 = arith.index_cast %add3A_95 : i32 to index
        %get3A_97 = arith.constant 16 : index
        %get3A_98 = tpu.vector_load %arg6[%get3A_96, %get3A_97] {strides = array<i32>} : memref<128x64xf32, #tpu.memory_space<vmem>>, vector<1x16xf32>,
        %get3A_99 = vector.shape_cast %get3A_98 : vector<1x16xf32> to vector<16xf32>
        %add3A_100 = arith.addf %get3A_93, %get3A_99 : vector<16xf32>
        %add3A_101 = arith.constant 2 : i32
        %add3A_102 = arith.addi %mul3A_30, %add3A_101 : i32
        %get3A_103 = arith.index_cast %add3A_102 : i32 to index
        %get3A_104 = arith.constant 16 : index
        %get3A_105 = tpu.vector_load %arg6[%get3A_103, %get3A_104] {strides = array<i32>} : memref<128x64xf32, #tpu.memory_space<vmem>>, vector<1x16xf32>,
        %get3A_106 = vector.shape_cast %get3A_105 : vector<1x16xf32> to vector<16xf32>
        %add3A_107 = arith.addf %add3A_100, %get3A_106 : vector<16xf32>
        %add3A_108 = arith.constant 3 : i32
        %add3A_109 = arith.addi %mul3A_30, %add3A_108 : i32
        %get3A_110 = arith.index_cast %add3A_109 : i32 to index
        %get3A_111 = arith.constant 16 : index
        %get3A_112 = tpu.vector_load %arg6[%get3A_110, %get3A_111] {strides = array<i32>} : memref<128x64xf32, #tpu.memory_space<vmem>>, vector<1x16xf32>,
        %get3A_113 = vector.shape_cast %get3A_112 : vector<1x16xf32> to vector<16xf32>
        %add3A_114 = arith.addf %add3A_107, %get3A_113 : vector<16xf32>
        %add3A_115 = arith.constant 4 : i32
        %add3A_116 = arith.addi %mul3A_30, %add3A_115 : i32
        %get3A_117 = arith.index_cast %add3A_116 : i32 to index
        %get3A_118 = arith.constant 16 : index
        %get3A_119 = tpu.vector_load %arg6[%get3A_117, %get3A_118] {strides = array<i32>} : memref<128x64xf32, #tpu.memory_space<vmem>>, vector<1x16xf32>,
        %get3A_120 = vector.shape_cast %get3A_119 : vector<1x16xf32> to vector<16xf32>
        %add3A_121 = arith.addf %add3A_114, %get3A_120 : vector<16xf32>
        %add3A_122 = arith.constant 5 : i32
        %add3A_123 = arith.addi %mul3A_30, %add3A_122 : i32
        %get3A_124 = arith.index_cast %add3A_123 : i32 to index
        %get3A_125 = arith.constant 16 : index
        %get3A_126 = tpu.vector_load %arg6[%get3A_124, %get3A_125] {strides = array<i32>} : memref<128x64xf32, #tpu.memory_space<vmem>>, vector<1x16xf32>,
        %get3A_127 = vector.shape_cast %get3A_126 : vector<1x16xf32> to vector<16xf32>
        %add3A_128 = arith.addf %add3A_121, %get3A_127 : vector<16xf32>
        %add3A_129 = arith.constant 6 : i32
        %add3A_130 = arith.addi %mul3A_30, %add3A_129 : i32
        %get3A_131 = arith.index_cast %add3A_130 : i32 to index
        %get3A_132 = arith.constant 16 : index
        %get3A_133 = tpu.vector_load %arg6[%get3A_131, %get3A_132] {strides = array<i32>} : memref<128x64xf32, #tpu.memory_space<vmem>>, vector<1x16xf32>,
        %get3A_134 = vector.shape_cast %get3A_133 : vector<1x16xf32> to vector<16xf32>
        %add3A_135 = arith.addf %add3A_128, %get3A_134 : vector<16xf32>
        %add3A_136 = arith.constant 7 : i32
        %add3A_137 = arith.addi %mul3A_30, %add3A_136 : i32
        %get3A_138 = arith.index_cast %add3A_137 : i32 to index
        %get3A_139 = arith.constant 16 : index
        %get3A_140 = tpu.vector_load %arg6[%get3A_138, %get3A_139] {strides = array<i32>} : memref<128x64xf32, #tpu.memory_space<vmem>>, vector<1x16xf32>,
        %get3A_141 = vector.shape_cast %get3A_140 : vector<1x16xf32> to vector<16xf32>
        %add3A_142 = arith.addf %add3A_135, %get3A_141 : vector<16xf32>
        %mul3A_143 = arith.constant 1.250000e-01 : f32
        %mul3A_144 = vector.broadcast %mul3A_143 : f32 to vector<16xf32>
        %mul3A_145 = arith.mulf %add3A_142, %mul3A_144 : vector<16xf32>
        %swap3A_146 = arith.index_cast %scan3A_28 : i32 to index
        %swap3A_147 = arith.constant 16 : index
        %swap3A_148 = tpu.vector_load %arg7[%swap3A_146, %swap3A_147] {strides = array<i32>} : memref<16x64xf32, #tpu.memory_space<vmem>>, vector<1x16xf32>,
        %swap3A_149 = vector.shape_cast %swap3A_148 : vector<1x16xf32> to vector<16xf32>
        %swap3A_150 = vector.shape_cast %mul3A_145 : vector<16xf32> to vector<1x16xf32>
        tpu.vector_store %arg7[%swap3A_146, %swap3A_147], %swap3A_150 {strides = array<i32>} : memref<16x64xf32, #tpu.memory_space<vmem>>, vector<1x16xf32>,
        %get3A_151 = arith.index_cast %mul3A_30 : i32 to index
        %get3A_152 = arith.constant 32 : index
        %get3A_153 = tpu.vector_load %arg6[%get3A_151, %get3A_152] {strides = array<i32>} : memref<128x64xf32, #tpu.memory_space<vmem>>, vector<1x16xf32>,
        %get3A_154 = vector.shape_cast %get3A_153 : vector<1x16xf32> to vector<16xf32>
        %add3A_155 = arith.constant 1 : i32
        %add3A_156 = arith.addi %mul3A_30, %add3A_155 : i32
        %get3A_157 = arith.index_cast %add3A_156 : i32 to index
        %get3A_158 = arith.constant 32 : index
        %get3A_159 = tpu.vector_load %arg6[%get3A_157, %get3A_158] {strides = array<i32>} : memref<128x64xf32, #tpu.memory_space<vmem>>, vector<1x16xf32>,
        %get3A_160 = vector.shape_cast %get3A_159 : vector<1x16xf32> to vector<16xf32>
        %add3A_161 = arith.addf %get3A_154, %get3A_160 : vector<16xf32>
        %add3A_162 = arith.constant 2 : i32
        %add3A_163 = arith.addi %mul3A_30, %add3A_162 : i32
        %get3A_164 = arith.index_cast %add3A_163 : i32 to index
        %get3A_165 = arith.constant 32 : index
        %get3A_166 = tpu.vector_load %arg6[%get3A_164, %get3A_165] {strides = array<i32>} : memref<128x64xf32, #tpu.memory_space<vmem>>, vector<1x16xf32>,
        %get3A_167 = vector.shape_cast %get3A_166 : vector<1x16xf32> to vector<16xf32>
        %add3A_168 = arith.addf %add3A_161, %get3A_167 : vector<16xf32>
        %add3A_169 = arith.constant 3 : i32
        %add3A_170 = arith.addi %mul3A_30, %add3A_169 : i32
        %get3A_171 = arith.index_cast %add3A_170 : i32 to index
        %get3A_172 = arith.constant 32 : index
        %get3A_173 = tpu.vector_load %arg6[%get3A_171, %get3A_172] {strides = array<i32>} : memref<128x64xf32, #tpu.memory_space<vmem>>, vector<1x16xf32>,
        %get3A_174 = vector.shape_cast %get3A_173 : vector<1x16xf32> to vector<16xf32>
        %add3A_175 = arith.addf %add3A_168, %get3A_174 : vector<16xf32>
        %add3A_176 = arith.constant 4 : i32
        %add3A_177 = arith.addi %mul3A_30, %add3A_176 : i32
        %get3A_178 = arith.index_cast %add3A_177 : i32 to index
        %get3A_179 = arith.constant 32 : index
        %get3A_180 = tpu.vector_load %arg6[%get3A_178, %get3A_179] {strides = array<i32>} : memref<128x64xf32, #tpu.memory_space<vmem>>, vector<1x16xf32>,
        %get3A_181 = vector.shape_cast %get3A_180 : vector<1x16xf32> to vector<16xf32>
        %add3A_182 = arith.addf %add3A_175, %get3A_181 : vector<16xf32>
        %add3A_183 = arith.constant 5 : i32
        %add3A_184 = arith.addi %mul3A_30, %add3A_183 : i32
        %get3A_185 = arith.index_cast %add3A_184 : i32 to index
        %get3A_186 = arith.constant 32 : index
        %get3A_187 = tpu.vector_load %arg6[%get3A_185, %get3A_186] {strides = array<i32>} : memref<128x64xf32, #tpu.memory_space<vmem>>, vector<1x16xf32>,
        %get3A_188 = vector.shape_cast %get3A_187 : vector<1x16xf32> to vector<16xf32>
        %add3A_189 = arith.addf %add3A_182, %get3A_188 : vector<16xf32>
        %add3A_190 = arith.constant 6 : i32
        %add3A_191 = arith.addi %mul3A_30, %add3A_190 : i32
        %get3A_192 = arith.index_cast %add3A_191 : i32 to index
        %get3A_193 = arith.constant 32 : index
        %get3A_194 = tpu.vector_load %arg6[%get3A_192, %get3A_193] {strides = array<i32>} : memref<128x64xf32, #tpu.memory_space<vmem>>, vector<1x16xf32>,
        %get3A_195 = vector.shape_cast %get3A_194 : vector<1x16xf32> to vector<16xf32>
        %add3A_196 = arith.addf %add3A_189, %get3A_195 : vector<16xf32>
        %add3A_197 = arith.constant 7 : i32
        %add3A_198 = arith.addi %mul3A_30, %add3A_197 : i32
        %get3A_199 = arith.index_cast %add3A_198 : i32 to index
        %get3A_200 = arith.constant 32 : index
        %get3A_201 = tpu.vector_load %arg6[%get3A_199, %get3A_200] {strides = array<i32>} : memref<128x64xf32, #tpu.memory_space<vmem>>, vector<1x16xf32>,
        %get3A_202 = vector.shape_cast %get3A_201 : vector<1x16xf32> to vector<16xf32>
        %add3A_203 = arith.addf %add3A_196, %get3A_202 : vector<16xf32>
        %mul3A_204 = arith.constant 1.250000e-01 : f32
        %mul3A_205 = vector.broadcast %mul3A_204 : f32 to vector<16xf32>
        %mul3A_206 = arith.mulf %add3A_203, %mul3A_205 : vector<16xf32>
        %swap3A_207 = arith.index_cast %scan3A_28 : i32 to index
        %swap3A_208 = arith.constant 32 : index
        %swap3A_209 = tpu.vector_load %arg7[%swap3A_207, %swap3A_208] {strides = array<i32>} : memref<16x64xf32, #tpu.memory_space<vmem>>, vector<1x16xf32>,
        %swap3A_210 = vector.shape_cast %swap3A_209 : vector<1x16xf32> to vector<16xf32>
        %swap3A_211 = vector.shape_cast %mul3A_206 : vector<16xf32> to vector<1x16xf32>
        tpu.vector_store %arg7[%swap3A_207, %swap3A_208], %swap3A_211 {strides = array<i32>} : memref<16x64xf32, #tpu.memory_space<vmem>>, vector<1x16xf32>,
        %get3A_212 = arith.index_cast %mul3A_30 : i32 to index
        %get3A_213 = arith.constant 48 : index
        %get3A_214 = tpu.vector_load %arg6[%get3A_212, %get3A_213] {strides = array<i32>} : memref<128x64xf32, #tpu.memory_space<vmem>>, vector<1x16xf32>,
        %get3A_215 = vector.shape_cast %get3A_214 : vector<1x16xf32> to vector<16xf32>
        %add3A_216 = arith.constant 1 : i32
        %add3A_217 = arith.addi %mul3A_30, %add3A_216 : i32
        %get3A_218 = arith.index_cast %add3A_217 : i32 to index
        %get3A_219 = arith.constant 48 : index
        %get3A_220 = tpu.vector_load %arg6[%get3A_218, %get3A_219] {strides = array<i32>} : memref<128x64xf32, #tpu.memory_space<vmem>>, vector<1x16xf32>,
        %get3A_221 = vector.shape_cast %get3A_220 : vector<1x16xf32> to vector<16xf32>
        %add3A_222 = arith.addf %get3A_215, %get3A_221 : vector<16xf32>
        %add3A_223 = arith.constant 2 : i32
        %add3A_224 = arith.addi %mul3A_30, %add3A_223 : i32
        %get3A_225 = arith.index_cast %add3A_224 : i32 to index
        %get3A_226 = arith.constant 48 : index
        %get3A_227 = tpu.vector_load %arg6[%get3A_225, %get3A_226] {strides = array<i32>} : memref<128x64xf32, #tpu.memory_space<vmem>>, vector<1x16xf32>,
        %get3A_228 = vector.shape_cast %get3A_227 : vector<1x16xf32> to vector<16xf32>
        %add3A_229 = arith.addf %add3A_222, %get3A_228 : vector<16xf32>
        %add3A_230 = arith.constant 3 : i32
        %add3A_231 = arith.addi %mul3A_30, %add3A_230 : i32
        %get3A_232 = arith.index_cast %add3A_231 : i32 to index
        %get3A_233 = arith.constant 48 : index
        %get3A_234 = tpu.vector_load %arg6[%get3A_232, %get3A_233] {strides = array<i32>} : memref<128x64xf32, #tpu.memory_space<vmem>>, vector<1x16xf32>,
        %get3A_235 = vector.shape_cast %get3A_234 : vector<1x16xf32> to vector<16xf32>
        %add3A_236 = arith.addf %add3A_229, %get3A_235 : vector<16xf32>
        %add3A_237 = arith.constant 4 : i32
        %add3A_238 = arith.addi %mul3A_30, %add3A_237 : i32
        %get3A_239 = arith.index_cast %add3A_238 : i32 to index
        %get3A_240 = arith.constant 48 : index
        %get3A_241 = tpu.vector_load %arg6[%get3A_239, %get3A_240] {strides = array<i32>} : memref<128x64xf32, #tpu.memory_space<vmem>>, vector<1x16xf32>,
        %get3A_242 = vector.shape_cast %get3A_241 : vector<1x16xf32> to vector<16xf32>
        %add3A_243 = arith.addf %add3A_236, %get3A_242 : vector<16xf32>
        %add3A_244 = arith.constant 5 : i32
        %add3A_245 = arith.addi %mul3A_30, %add3A_244 : i32
        %get3A_246 = arith.index_cast %add3A_245 : i32 to index
        %get3A_247 = arith.constant 48 : index
        %get3A_248 = tpu.vector_load %arg6[%get3A_246, %get3A_247] {strides = array<i32>} : memref<128x64xf32, #tpu.memory_space<vmem>>, vector<1x16xf32>,
        %get3A_249 = vector.shape_cast %get3A_248 : vector<1x16xf32> to vector<16xf32>
        %add3A_250 = arith.addf %add3A_243, %get3A_249 : vector<16xf32>
        %add3A_251 = arith.constant 6 : i32
        %add3A_252 = arith.addi %mul3A_30, %add3A_251 : i32
        %get3A_253 = arith.index_cast %add3A_252 : i32 to index
        %get3A_254 = arith.constant 48 : index
        %get3A_255 = tpu.vector_load %arg6[%get3A_253, %get3A_254] {strides = array<i32>} : memref<128x64xf32, #tpu.memory_space<vmem>>, vector<1x16xf32>,
        %get3A_256 = vector.shape_cast %get3A_255 : vector<1x16xf32> to vector<16xf32>
        %add3A_257 = arith.addf %add3A_250, %get3A_256 : vector<16xf32>
        %add3A_258 = arith.constant 7 : i32
        %add3A_259 = arith.addi %mul3A_30, %add3A_258 : i32
        %get3A_260 = arith.index_cast %add3A_259 : i32 to index
        %get3A_261 = arith.constant 48 : index
        %get3A_262 = tpu.vector_load %arg6[%get3A_260, %get3A_261] {strides = array<i32>} : memref<128x64xf32, #tpu.memory_space<vmem>>, vector<1x16xf32>,
        %get3A_263 = vector.shape_cast %get3A_262 : vector<1x16xf32> to vector<16xf32>
        %add3A_264 = arith.addf %add3A_257, %get3A_263 : vector<16xf32>
        %mul3A_265 = arith.constant 1.250000e-01 : f32
        %mul3A_266 = vector.broadcast %mul3A_265 : f32 to vector<16xf32>
        %mul3A_267 = arith.mulf %add3A_264, %mul3A_266 : vector<16xf32>
        %swap3A_268 = arith.index_cast %scan3A_28 : i32 to index
        %swap3A_269 = arith.constant 48 : index
        %swap3A_270 = tpu.vector_load %arg7[%swap3A_268, %swap3A_269] {strides = array<i32>} : memref<16x64xf32, #tpu.memory_space<vmem>>, vector<1x16xf32>,
        %swap3A_271 = vector.shape_cast %swap3A_270 : vector<1x16xf32> to vector<16xf32>
        %swap3A_272 = vector.shape_cast %mul3A_267 : vector<16xf32> to vector<1x16xf32>
        tpu.vector_store %arg7[%swap3A_268, %swap3A_269], %swap3A_272 {strides = array<i32>} : memref<16x64xf32, #tpu.memory_space<vmem>>, vector<1x16xf32>,
      }
      %scan3A_22 = arith.constant 16 : i32
      %mul3A_23 = arith.constant 512 : i32
      %mul3A_24 = arith.muli %add3A, %mul3A_23 : i32
      %mul3A_25 = arith.constant 16 : i32
      %mul3A_26 = arith.muli %scan3A_6, %mul3A_25 : i32
      %add3A_27 = arith.addi %mul3A_24, %mul3A_26 : i32
      "tpu.region"() ({
        %run_scoped3A = tpu.sem_alloc : memref<!tpu.dma_semaphore, #tpu.memory_space<semaphore_mem>>
        %dma_start3A_28 = arith.constant 0 : i32
        %dma_start3A_29 = tpu.memref_slice %arg4[%add3A_27, %dma_start3A_28] : memref<16384x64xf32, #tpu.memory_space<hbm>> -> memref<16x64xf32, #tpu.memory_space<hbm>>
        %dma_start3A_30 = arith.constant 0 : i32
        %dma_start3A_31 = tpu.memref_slice %arg4[%add3A_27, %dma_start3A_30] : memref<16384x64xf32, #tpu.memory_space<hbm>> -> memref<16x64xf32, #tpu.memory_space<hbm>>
        tpu.enqueue_dma source(%arg7 : memref<16x64xf32, #tpu.memory_space<vmem>>) target(%dma_start3A_31 : memref<16x64xf32, #tpu.memory_space<hbm>>) target_semaphore(%run_scoped3A : memref<!tpu.dma_semaphore, #tpu.memory_space<semaphore_mem>>)
        %dma_wait3A_32 = arith.constant 0 : i32
        %dma_wait3A_33 = tpu.memref_slice %arg4[%add3A_27, %dma_wait3A_32] : memref<16384x64xf32, #tpu.memory_space<hbm>> -> memref<16x64xf32, #tpu.memory_space<hbm>>
        %dma_wait3A_34 = arith.constant 0 : i32
        %dma_wait3A_35 = tpu.memref_slice %arg4[%add3A_27, %dma_wait3A_34] : memref<16384x64xf32, #tpu.memory_space<hbm>> -> memref<16x64xf32, #tpu.memory_space<hbm>>
        tpu.wait_dma2 semaphore(%run_scoped3A : memref<!tpu.dma_semaphore, #tpu.memory_space<semaphore_mem>>) src(%arg7 : memref<16x64xf32, #tpu.memory_space<vmem>>) dst(%dma_wait3A_35 : memref<16x64xf32, #tpu.memory_space<hbm>>)
        tpu.yield
      }) : () -> ()
    }
    %scan3A_5 = arith.constant 32 : i32
    return
  }
}

module attributes {stable_mosaic.version = 14 : i64} {
  func.func @_topk_body(%arg0: i32, %arg1: i32, %arg2: memref<128x64xf32, #tpu.memory_space<vmem>>, %arg3: memref<1x64x16384xf32, #tpu.memory_space<vmem>>, %arg4: memref<1x128x8xi32, #tpu.memory_space<vmem>>) attributes {dimension_semantics = [#tpu.dimension_semantics<arbitrary>, #tpu.dimension_semantics<arbitrary>], iteration_bounds = array<i64: 4, 32>, scalar_prefetch = 0 : i64, scratch_operands = 0 : i64, tpu.core_type = #tpu.core_type<tc>, window_params = [{transform_indices = @transform_0, window_bounds = array<i64: 128, 64>}, {transform_indices = @transform_1, window_bounds = array<i64: 1, 64, 16384>}, {transform_indices = @transform_2, window_bounds = array<i64: 1, 128, 8>}]} {
    %get3A = arith.constant 0 : index
    %get3A_0 = arith.constant 0 : index
    %get3A_1 = vector.load %arg2[%get3A, %get3A_0] : memref<128x64xf32, #tpu.memory_space<vmem>>, vector<128x64xf32>
    %get3A_2 = arith.constant 0 : index
    %get3A_3 = arith.constant 0 : index
    %get3A_4 = arith.constant 0 : index
    %get3A_5 = vector.load %arg3[%get3A_2, %get3A_3, %get3A_4] : memref<1x64x16384xf32, #tpu.memory_space<vmem>>, vector<1x64x16384xf32>
    %get3A_6 = vector.shape_cast %get3A_5 : vector<1x64x16384xf32> to vector<64x16384xf32>
    %dot_general3A = arith.constant dense<0.000000e+00> : vector<128x16384xf32>
    %dot_general3A_7 = tpu.matmul %get3A_1, %get3A_6, %dot_general3A {dimension_numbers = #tpu.dot_dimension_numbers<[1], [0], [0], [1], [0, 0, 1, 1], [], []>, transpose_lhs_hint = false} : vector<128x64xf32>, vector<64x16384xf32>, vector<128x16384xf32> -> vector<128x16384xf32>
    %mul3A = arith.mulf %get3A_1, %get3A_1 : vector<128x64xf32>
    %reduce_sum3A = arith.constant dense<0.000000e+00> : vector<128xf32>
    %reduce_sum3A_8 = vector.multi_reduction <add>, %mul3A, %reduce_sum3A [1] : vector<128x64xf32> to vector<128xf32>
    %broadcast_in_dim3A = vector.shape_cast %reduce_sum3A_8 : vector<128xf32> to vector<128x1xf32>
    %mul3A_9 = arith.mulf %get3A_6, %get3A_6 : vector<64x16384xf32>
    %reduce_sum3A_10 = arith.constant dense<0.000000e+00> : vector<16384xf32>
    %reduce_sum3A_11 = vector.multi_reduction <add>, %mul3A_9, %reduce_sum3A_10 [0] : vector<64x16384xf32> to vector<16384xf32>
    %broadcast_in_dim3A_12 = vector.shape_cast %reduce_sum3A_11 : vector<16384xf32> to vector<1x16384xf32>
    %add3A = vector.broadcast %broadcast_in_dim3A : vector<128x1xf32> to vector<128x16384xf32>
    %add3A_13 = vector.broadcast %broadcast_in_dim3A_12 : vector<1x16384xf32> to vector<128x16384xf32>
    %add3A_14 = arith.addf %add3A, %add3A_13 : vector<128x16384xf32>
    %mul3A_15 = arith.constant 2.000000e+00 : f32
    %mul3A_16 = vector.broadcast %mul3A_15 : f32 to vector<128x16384xf32>
    %mul3A_17 = arith.mulf %mul3A_16, %dot_general3A_7 : vector<128x16384xf32>
    %sub3A = arith.subf %add3A_14, %mul3A_17 : vector<128x16384xf32>
    %iota3A = tpu.iota {dimensions = array<i32: 1>} : vector<128x16384xi32>
    %reduce_min3A = arith.constant dense<0x7F800000> : vector<128xf32>
    %reduce_min3A_18 = vector.multi_reduction <minimumf>, %sub3A, %reduce_min3A [1] : vector<128x16384xf32> to vector<128xf32>
    %broadcast_in_dim3A_19 = vector.shape_cast %reduce_min3A_18 : vector<128xf32> to vector<128x1xf32>
    %eq3A = vector.broadcast %broadcast_in_dim3A_19 : vector<128x1xf32> to vector<128x16384xf32>
    %eq3A_20 = arith.cmpf oeq, %sub3A, %eq3A : vector<128x16384xf32>
    %jit3A = arith.constant 16384 : i32
    %broadcast_in_dim3A_21 = vector.broadcast %jit3A : i32 to vector<128x16384xi32>
    %select_n3A = arith.select %eq3A_20, %iota3A, %broadcast_in_dim3A_21 : vector<128x16384xi1>, vector<128x16384xi32>
    %reduce_min3A_22 = arith.constant dense<2147483647> : vector<128xi32>
    %reduce_min3A_23 = vector.multi_reduction <minsi>, %select_n3A, %reduce_min3A_22 [1] : vector<128x16384xi32> to vector<128xi32>
    %broadcast_in_dim3A_24 = vector.shape_cast %reduce_min3A_23 : vector<128xi32> to vector<128x1xi32>
    %squeeze3A = vector.shape_cast %broadcast_in_dim3A_24 : vector<128x1xi32> to vector<128xi32>
    %mul3A_25 = arith.constant 16384 : i32
    %mul3A_26 = arith.muli %arg0, %mul3A_25 : i32
    %add3A_27 = vector.broadcast %mul3A_26 : i32 to vector<128xi32>
    %add3A_28 = arith.addi %squeeze3A, %add3A_27 : vector<128xi32>
    %swap3A = arith.constant 0 : index
    %swap3A_29 = arith.constant 0 : index
    %swap3A_30 = arith.constant 0 : index
    %swap3A_31 = vector.load %arg4[%swap3A, %swap3A_29, %swap3A_30] : memref<1x128x8xi32, #tpu.memory_space<vmem>>, vector<1x128x1xi32>
    %swap3A_32 = vector.shape_cast %swap3A_31 : vector<1x128x1xi32> to vector<128xi32>
    %swap3A_33 = vector.shape_cast %add3A_28 : vector<128xi32> to vector<1x128x1xi32>
    tpu.vector_store %arg4[%swap3A, %swap3A_29, %swap3A_30], %swap3A_33 {strides = array<i32>} : memref<1x128x8xi32, #tpu.memory_space<vmem>>, vector<1x128x1xi32>,
    %eq3A_34 = vector.broadcast %broadcast_in_dim3A_24 : vector<128x1xi32> to vector<128x16384xi32>
    %eq3A_35 = arith.cmpi eq, %iota3A, %eq3A_34 : vector<128x16384xi32>
    %jit3A_36 = arith.constant 0x7F800000 : f32
    %broadcast_in_dim3A_37 = vector.broadcast %jit3A_36 : f32 to vector<128x16384xf32>
    %select_n3A_38 = arith.select %eq3A_35, %broadcast_in_dim3A_37, %sub3A : vector<128x16384xi1>, vector<128x16384xf32>
    %reduce_min3A_39 = arith.constant dense<0x7F800000> : vector<128xf32>
    %reduce_min3A_40 = vector.multi_reduction <minimumf>, %select_n3A_38, %reduce_min3A_39 [1] : vector<128x16384xf32> to vector<128xf32>
    %broadcast_in_dim3A_41 = vector.shape_cast %reduce_min3A_40 : vector<128xf32> to vector<128x1xf32>
    %eq3A_42 = vector.broadcast %broadcast_in_dim3A_41 : vector<128x1xf32> to vector<128x16384xf32>
    %eq3A_43 = arith.cmpf oeq, %select_n3A_38, %eq3A_42 : vector<128x16384xf32>
    %jit3A_44 = arith.constant 16384 : i32
    %broadcast_in_dim3A_45 = vector.broadcast %jit3A_44 : i32 to vector<128x16384xi32>
    %select_n3A_46 = arith.select %eq3A_43, %iota3A, %broadcast_in_dim3A_45 : vector<128x16384xi1>, vector<128x16384xi32>
    %reduce_min3A_47 = arith.constant dense<2147483647> : vector<128xi32>
    %reduce_min3A_48 = vector.multi_reduction <minsi>, %select_n3A_46, %reduce_min3A_47 [1] : vector<128x16384xi32> to vector<128xi32>
    %broadcast_in_dim3A_49 = vector.shape_cast %reduce_min3A_48 : vector<128xi32> to vector<128x1xi32>
    %squeeze3A_50 = vector.shape_cast %broadcast_in_dim3A_49 : vector<128x1xi32> to vector<128xi32>
    %mul3A_51 = arith.constant 16384 : i32
    %mul3A_52 = arith.muli %arg0, %mul3A_51 : i32
    %add3A_53 = vector.broadcast %mul3A_52 : i32 to vector<128xi32>
    %add3A_54 = arith.addi %squeeze3A_50, %add3A_53 : vector<128xi32>
    %swap3A_55 = arith.constant 0 : index
    %swap3A_56 = arith.constant 0 : index
    %swap3A_57 = arith.constant 1 : index
    %swap3A_58 = vector.load %arg4[%swap3A_55, %swap3A_56, %swap3A_57] : memref<1x128x8xi32, #tpu.memory_space<vmem>>, vector<1x128x1xi32>
    %swap3A_59 = vector.shape_cast %swap3A_58 : vector<1x128x1xi32> to vector<128xi32>
    %swap3A_60 = vector.shape_cast %add3A_54 : vector<128xi32> to vector<1x128x1xi32>
    tpu.vector_store %arg4[%swap3A_55, %swap3A_56, %swap3A_57], %swap3A_60 {strides = array<i32>} : memref<1x128x8xi32, #tpu.memory_space<vmem>>, vector<1x128x1xi32>,
    %eq3A_61 = vector.broadcast %broadcast_in_dim3A_49 : vector<128x1xi32> to vector<128x16384xi32>
    %eq3A_62 = arith.cmpi eq, %iota3A, %eq3A_61 : vector<128x16384xi32>
    %jit3A_63 = arith.constant 0x7F800000 : f32
    %broadcast_in_dim3A_64 = vector.broadcast %jit3A_63 : f32 to vector<128x16384xf32>
    %select_n3A_65 = arith.select %eq3A_62, %broadcast_in_dim3A_64, %select_n3A_38 : vector<128x16384xi1>, vector<128x16384xf32>
    %reduce_min3A_66 = arith.constant dense<0x7F800000> : vector<128xf32>
    %reduce_min3A_67 = vector.multi_reduction <minimumf>, %select_n3A_65, %reduce_min3A_66 [1] : vector<128x16384xf32> to vector<128xf32>
    %broadcast_in_dim3A_68 = vector.shape_cast %reduce_min3A_67 : vector<128xf32> to vector<128x1xf32>
    %eq3A_69 = vector.broadcast %broadcast_in_dim3A_68 : vector<128x1xf32> to vector<128x16384xf32>
    %eq3A_70 = arith.cmpf oeq, %select_n3A_65, %eq3A_69 : vector<128x16384xf32>
    %jit3A_71 = arith.constant 16384 : i32
    %broadcast_in_dim3A_72 = vector.broadcast %jit3A_71 : i32 to vector<128x16384xi32>
    %select_n3A_73 = arith.select %eq3A_70, %iota3A, %broadcast_in_dim3A_72 : vector<128x16384xi1>, vector<128x16384xi32>
    %reduce_min3A_74 = arith.constant dense<2147483647> : vector<128xi32>
    %reduce_min3A_75 = vector.multi_reduction <minsi>, %select_n3A_73, %reduce_min3A_74 [1] : vector<128x16384xi32> to vector<128xi32>
    %broadcast_in_dim3A_76 = vector.shape_cast %reduce_min3A_75 : vector<128xi32> to vector<128x1xi32>
    %squeeze3A_77 = vector.shape_cast %broadcast_in_dim3A_76 : vector<128x1xi32> to vector<128xi32>
    %mul3A_78 = arith.constant 16384 : i32
    %mul3A_79 = arith.muli %arg0, %mul3A_78 : i32
    %add3A_80 = vector.broadcast %mul3A_79 : i32 to vector<128xi32>
    %add3A_81 = arith.addi %squeeze3A_77, %add3A_80 : vector<128xi32>
    %swap3A_82 = arith.constant 0 : index
    %swap3A_83 = arith.constant 0 : index
    %swap3A_84 = arith.constant 2 : index
    %swap3A_85 = vector.load %arg4[%swap3A_82, %swap3A_83, %swap3A_84] : memref<1x128x8xi32, #tpu.memory_space<vmem>>, vector<1x128x1xi32>
    %swap3A_86 = vector.shape_cast %swap3A_85 : vector<1x128x1xi32> to vector<128xi32>
    %swap3A_87 = vector.shape_cast %add3A_81 : vector<128xi32> to vector<1x128x1xi32>
    tpu.vector_store %arg4[%swap3A_82, %swap3A_83, %swap3A_84], %swap3A_87 {strides = array<i32>} : memref<1x128x8xi32, #tpu.memory_space<vmem>>, vector<1x128x1xi32>,
    %eq3A_88 = vector.broadcast %broadcast_in_dim3A_76 : vector<128x1xi32> to vector<128x16384xi32>
    %eq3A_89 = arith.cmpi eq, %iota3A, %eq3A_88 : vector<128x16384xi32>
    %jit3A_90 = arith.constant 0x7F800000 : f32
    %broadcast_in_dim3A_91 = vector.broadcast %jit3A_90 : f32 to vector<128x16384xf32>
    %select_n3A_92 = arith.select %eq3A_89, %broadcast_in_dim3A_91, %select_n3A_65 : vector<128x16384xi1>, vector<128x16384xf32>
    %reduce_min3A_93 = arith.constant dense<0x7F800000> : vector<128xf32>
    %reduce_min3A_94 = vector.multi_reduction <minimumf>, %select_n3A_92, %reduce_min3A_93 [1] : vector<128x16384xf32> to vector<128xf32>
    %broadcast_in_dim3A_95 = vector.shape_cast %reduce_min3A_94 : vector<128xf32> to vector<128x1xf32>
    %eq3A_96 = vector.broadcast %broadcast_in_dim3A_95 : vector<128x1xf32> to vector<128x16384xf32>
    %eq3A_97 = arith.cmpf oeq, %select_n3A_92, %eq3A_96 : vector<128x16384xf32>
    %jit3A_98 = arith.constant 16384 : i32
    %broadcast_in_dim3A_99 = vector.broadcast %jit3A_98 : i32 to vector<128x16384xi32>
    %select_n3A_100 = arith.select %eq3A_97, %iota3A, %broadcast_in_dim3A_99 : vector<128x16384xi1>, vector<128x16384xi32>
    %reduce_min3A_101 = arith.constant dense<2147483647> : vector<128xi32>
    %reduce_min3A_102 = vector.multi_reduction <minsi>, %select_n3A_100, %reduce_min3A_101 [1] : vector<128x16384xi32> to vector<128xi32>
    %broadcast_in_dim3A_103 = vector.shape_cast %reduce_min3A_102 : vector<128xi32> to vector<128x1xi32>
    %squeeze3A_104 = vector.shape_cast %broadcast_in_dim3A_103 : vector<128x1xi32> to vector<128xi32>
    %mul3A_105 = arith.constant 16384 : i32
    %mul3A_106 = arith.muli %arg0, %mul3A_105 : i32
    %add3A_107 = vector.broadcast %mul3A_106 : i32 to vector<128xi32>
    %add3A_108 = arith.addi %squeeze3A_104, %add3A_107 : vector<128xi32>
    %swap3A_109 = arith.constant 0 : index
    %swap3A_110 = arith.constant 0 : index
    %swap3A_111 = arith.constant 3 : index
    %swap3A_112 = vector.load %arg4[%swap3A_109, %swap3A_110, %swap3A_111] : memref<1x128x8xi32, #tpu.memory_space<vmem>>, vector<1x128x1xi32>
    %swap3A_113 = vector.shape_cast %swap3A_112 : vector<1x128x1xi32> to vector<128xi32>
    %swap3A_114 = vector.shape_cast %add3A_108 : vector<128xi32> to vector<1x128x1xi32>
    tpu.vector_store %arg4[%swap3A_109, %swap3A_110, %swap3A_111], %swap3A_114 {strides = array<i32>} : memref<1x128x8xi32, #tpu.memory_space<vmem>>, vector<1x128x1xi32>,
    %eq3A_115 = vector.broadcast %broadcast_in_dim3A_103 : vector<128x1xi32> to vector<128x16384xi32>
    %eq3A_116 = arith.cmpi eq, %iota3A, %eq3A_115 : vector<128x16384xi32>
    %jit3A_117 = arith.constant 0x7F800000 : f32
    %broadcast_in_dim3A_118 = vector.broadcast %jit3A_117 : f32 to vector<128x16384xf32>
    %select_n3A_119 = arith.select %eq3A_116, %broadcast_in_dim3A_118, %select_n3A_92 : vector<128x16384xi1>, vector<128x16384xf32>
    %reduce_min3A_120 = arith.constant dense<0x7F800000> : vector<128xf32>
    %reduce_min3A_121 = vector.multi_reduction <minimumf>, %select_n3A_119, %reduce_min3A_120 [1] : vector<128x16384xf32> to vector<128xf32>
    %broadcast_in_dim3A_122 = vector.shape_cast %reduce_min3A_121 : vector<128xf32> to vector<128x1xf32>
    %eq3A_123 = vector.broadcast %broadcast_in_dim3A_122 : vector<128x1xf32> to vector<128x16384xf32>
    %eq3A_124 = arith.cmpf oeq, %select_n3A_119, %eq3A_123 : vector<128x16384xf32>
    %jit3A_125 = arith.constant 16384 : i32
    %broadcast_in_dim3A_126 = vector.broadcast %jit3A_125 : i32 to vector<128x16384xi32>
    %select_n3A_127 = arith.select %eq3A_124, %iota3A, %broadcast_in_dim3A_126 : vector<128x16384xi1>, vector<128x16384xi32>
    %reduce_min3A_128 = arith.constant dense<2147483647> : vector<128xi32>
    %reduce_min3A_129 = vector.multi_reduction <minsi>, %select_n3A_127, %reduce_min3A_128 [1] : vector<128x16384xi32> to vector<128xi32>
    %broadcast_in_dim3A_130 = vector.shape_cast %reduce_min3A_129 : vector<128xi32> to vector<128x1xi32>
    %squeeze3A_131 = vector.shape_cast %broadcast_in_dim3A_130 : vector<128x1xi32> to vector<128xi32>
    %mul3A_132 = arith.constant 16384 : i32
    %mul3A_133 = arith.muli %arg0, %mul3A_132 : i32
    %add3A_134 = vector.broadcast %mul3A_133 : i32 to vector<128xi32>
    %add3A_135 = arith.addi %squeeze3A_131, %add3A_134 : vector<128xi32>
    %swap3A_136 = arith.constant 0 : index
    %swap3A_137 = arith.constant 0 : index
    %swap3A_138 = arith.constant 4 : index
    %swap3A_139 = vector.load %arg4[%swap3A_136, %swap3A_137, %swap3A_138] : memref<1x128x8xi32, #tpu.memory_space<vmem>>, vector<1x128x1xi32>
    %swap3A_140 = vector.shape_cast %swap3A_139 : vector<1x128x1xi32> to vector<128xi32>
    %swap3A_141 = vector.shape_cast %add3A_135 : vector<128xi32> to vector<1x128x1xi32>
    tpu.vector_store %arg4[%swap3A_136, %swap3A_137, %swap3A_138], %swap3A_141 {strides = array<i32>} : memref<1x128x8xi32, #tpu.memory_space<vmem>>, vector<1x128x1xi32>,
    %eq3A_142 = vector.broadcast %broadcast_in_dim3A_130 : vector<128x1xi32> to vector<128x16384xi32>
    %eq3A_143 = arith.cmpi eq, %iota3A, %eq3A_142 : vector<128x16384xi32>
    %jit3A_144 = arith.constant 0x7F800000 : f32
    %broadcast_in_dim3A_145 = vector.broadcast %jit3A_144 : f32 to vector<128x16384xf32>
    %select_n3A_146 = arith.select %eq3A_143, %broadcast_in_dim3A_145, %select_n3A_119 : vector<128x16384xi1>, vector<128x16384xf32>
    %reduce_min3A_147 = arith.constant dense<0x7F800000> : vector<128xf32>
    %reduce_min3A_148 = vector.multi_reduction <minimumf>, %select_n3A_146, %reduce_min3A_147 [1] : vector<128x16384xf32> to vector<128xf32>
    %broadcast_in_dim3A_149 = vector.shape_cast %reduce_min3A_148 : vector<128xf32> to vector<128x1xf32>
    %eq3A_150 = vector.broadcast %broadcast_in_dim3A_149 : vector<128x1xf32> to vector<128x16384xf32>
    %eq3A_151 = arith.cmpf oeq, %select_n3A_146, %eq3A_150 : vector<128x16384xf32>
    %jit3A_152 = arith.constant 16384 : i32
    %broadcast_in_dim3A_153 = vector.broadcast %jit3A_152 : i32 to vector<128x16384xi32>
    %select_n3A_154 = arith.select %eq3A_151, %iota3A, %broadcast_in_dim3A_153 : vector<128x16384xi1>, vector<128x16384xi32>
    %reduce_min3A_155 = arith.constant dense<2147483647> : vector<128xi32>
    %reduce_min3A_156 = vector.multi_reduction <minsi>, %select_n3A_154, %reduce_min3A_155 [1] : vector<128x16384xi32> to vector<128xi32>
    %broadcast_in_dim3A_157 = vector.shape_cast %reduce_min3A_156 : vector<128xi32> to vector<128x1xi32>
    %squeeze3A_158 = vector.shape_cast %broadcast_in_dim3A_157 : vector<128x1xi32> to vector<128xi32>
    %mul3A_159 = arith.constant 16384 : i32
    %mul3A_160 = arith.muli %arg0, %mul3A_159 : i32
    %add3A_161 = vector.broadcast %mul3A_160 : i32 to vector<128xi32>
    %add3A_162 = arith.addi %squeeze3A_158, %add3A_161 : vector<128xi32>
    %swap3A_163 = arith.constant 0 : index
    %swap3A_164 = arith.constant 0 : index
    %swap3A_165 = arith.constant 5 : index
    %swap3A_166 = vector.load %arg4[%swap3A_163, %swap3A_164, %swap3A_165] : memref<1x128x8xi32, #tpu.memory_space<vmem>>, vector<1x128x1xi32>
    %swap3A_167 = vector.shape_cast %swap3A_166 : vector<1x128x1xi32> to vector<128xi32>
    %swap3A_168 = vector.shape_cast %add3A_162 : vector<128xi32> to vector<1x128x1xi32>
    tpu.vector_store %arg4[%swap3A_163, %swap3A_164, %swap3A_165], %swap3A_168 {strides = array<i32>} : memref<1x128x8xi32, #tpu.memory_space<vmem>>, vector<1x128x1xi32>,
    %eq3A_169 = vector.broadcast %broadcast_in_dim3A_157 : vector<128x1xi32> to vector<128x16384xi32>
    %eq3A_170 = arith.cmpi eq, %iota3A, %eq3A_169 : vector<128x16384xi32>
    %jit3A_171 = arith.constant 0x7F800000 : f32
    %broadcast_in_dim3A_172 = vector.broadcast %jit3A_171 : f32 to vector<128x16384xf32>
    %select_n3A_173 = arith.select %eq3A_170, %broadcast_in_dim3A_172, %select_n3A_146 : vector<128x16384xi1>, vector<128x16384xf32>
    %reduce_min3A_174 = arith.constant dense<0x7F800000> : vector<128xf32>
    %reduce_min3A_175 = vector.multi_reduction <minimumf>, %select_n3A_173, %reduce_min3A_174 [1] : vector<128x16384xf32> to vector<128xf32>
    %broadcast_in_dim3A_176 = vector.shape_cast %reduce_min3A_175 : vector<128xf32> to vector<128x1xf32>
    %eq3A_177 = vector.broadcast %broadcast_in_dim3A_176 : vector<128x1xf32> to vector<128x16384xf32>
    %eq3A_178 = arith.cmpf oeq, %select_n3A_173, %eq3A_177 : vector<128x16384xf32>
    %jit3A_179 = arith.constant 16384 : i32
    %broadcast_in_dim3A_180 = vector.broadcast %jit3A_179 : i32 to vector<128x16384xi32>
    %select_n3A_181 = arith.select %eq3A_178, %iota3A, %broadcast_in_dim3A_180 : vector<128x16384xi1>, vector<128x16384xi32>
    %reduce_min3A_182 = arith.constant dense<2147483647> : vector<128xi32>
    %reduce_min3A_183 = vector.multi_reduction <minsi>, %select_n3A_181, %reduce_min3A_182 [1] : vector<128x16384xi32> to vector<128xi32>
    %broadcast_in_dim3A_184 = vector.shape_cast %reduce_min3A_183 : vector<128xi32> to vector<128x1xi32>
    %squeeze3A_185 = vector.shape_cast %broadcast_in_dim3A_184 : vector<128x1xi32> to vector<128xi32>
    %mul3A_186 = arith.constant 16384 : i32
    %mul3A_187 = arith.muli %arg0, %mul3A_186 : i32
    %add3A_188 = vector.broadcast %mul3A_187 : i32 to vector<128xi32>
    %add3A_189 = arith.addi %squeeze3A_185, %add3A_188 : vector<128xi32>
    %swap3A_190 = arith.constant 0 : index
    %swap3A_191 = arith.constant 0 : index
    %swap3A_192 = arith.constant 6 : index
    %swap3A_193 = vector.load %arg4[%swap3A_190, %swap3A_191, %swap3A_192] : memref<1x128x8xi32, #tpu.memory_space<vmem>>, vector<1x128x1xi32>
    %swap3A_194 = vector.shape_cast %swap3A_193 : vector<1x128x1xi32> to vector<128xi32>
    %swap3A_195 = vector.shape_cast %add3A_189 : vector<128xi32> to vector<1x128x1xi32>
    tpu.vector_store %arg4[%swap3A_190, %swap3A_191, %swap3A_192], %swap3A_195 {strides = array<i32>} : memref<1x128x8xi32, #tpu.memory_space<vmem>>, vector<1x128x1xi32>,
    %eq3A_196 = vector.broadcast %broadcast_in_dim3A_184 : vector<128x1xi32> to vector<128x16384xi32>
    %eq3A_197 = arith.cmpi eq, %iota3A, %eq3A_196 : vector<128x16384xi32>
    %jit3A_198 = arith.constant 0x7F800000 : f32
    %broadcast_in_dim3A_199 = vector.broadcast %jit3A_198 : f32 to vector<128x16384xf32>
    %select_n3A_200 = arith.select %eq3A_197, %broadcast_in_dim3A_199, %select_n3A_173 : vector<128x16384xi1>, vector<128x16384xf32>
    %reduce_min3A_201 = arith.constant dense<0x7F800000> : vector<128xf32>
    %reduce_min3A_202 = vector.multi_reduction <minimumf>, %select_n3A_200, %reduce_min3A_201 [1] : vector<128x16384xf32> to vector<128xf32>
    %broadcast_in_dim3A_203 = vector.shape_cast %reduce_min3A_202 : vector<128xf32> to vector<128x1xf32>
    %eq3A_204 = vector.broadcast %broadcast_in_dim3A_203 : vector<128x1xf32> to vector<128x16384xf32>
    %eq3A_205 = arith.cmpf oeq, %select_n3A_200, %eq3A_204 : vector<128x16384xf32>
    %jit3A_206 = arith.constant 16384 : i32
    %broadcast_in_dim3A_207 = vector.broadcast %jit3A_206 : i32 to vector<128x16384xi32>
    %select_n3A_208 = arith.select %eq3A_205, %iota3A, %broadcast_in_dim3A_207 : vector<128x16384xi1>, vector<128x16384xi32>
    %reduce_min3A_209 = arith.constant dense<2147483647> : vector<128xi32>
    %reduce_min3A_210 = vector.multi_reduction <minsi>, %select_n3A_208, %reduce_min3A_209 [1] : vector<128x16384xi32> to vector<128xi32>
    %broadcast_in_dim3A_211 = vector.shape_cast %reduce_min3A_210 : vector<128xi32> to vector<128x1xi32>
    %squeeze3A_212 = vector.shape_cast %broadcast_in_dim3A_211 : vector<128x1xi32> to vector<128xi32>
    %mul3A_213 = arith.constant 16384 : i32
    %mul3A_214 = arith.muli %arg0, %mul3A_213 : i32
    %add3A_215 = vector.broadcast %mul3A_214 : i32 to vector<128xi32>
    %add3A_216 = arith.addi %squeeze3A_212, %add3A_215 : vector<128xi32>
    %swap3A_217 = arith.constant 0 : index
    %swap3A_218 = arith.constant 0 : index
    %swap3A_219 = arith.constant 7 : index
    %swap3A_220 = vector.load %arg4[%swap3A_217, %swap3A_218, %swap3A_219] : memref<1x128x8xi32, #tpu.memory_space<vmem>>, vector<1x128x1xi32>
    %swap3A_221 = vector.shape_cast %swap3A_220 : vector<1x128x1xi32> to vector<128xi32>
    %swap3A_222 = vector.shape_cast %add3A_216 : vector<128xi32> to vector<1x128x1xi32>
    tpu.vector_store %arg4[%swap3A_217, %swap3A_218, %swap3A_219], %swap3A_222 {strides = array<i32>} : memref<1x128x8xi32, #tpu.memory_space<vmem>>, vector<1x128x1xi32>,
    return
  }
  func.func @transform_0(%arg0: i32, %arg1: i32) -> (i32, i32) {
    %c0_i32 = arith.constant 0 : i32
    %c0_i32_0 = arith.constant 0 : i32
    return %arg1, %c0_i32 : i32, i32
  }
  func.func @transform_1(%arg0: i32, %arg1: i32) -> (i32, i32, i32) {
    %c0_i32 = arith.constant 0 : i32
    %c0_i32_0 = arith.constant 0 : i32
    %c0_i32_1 = arith.constant 0 : i32
    return %arg0, %c0_i32, %c0_i32_0 : i32, i32, i32
  }
  func.func @transform_2(%arg0: i32, %arg1: i32) -> (i32, i32, i32) {
    %c0_i32 = arith.constant 0 : i32
    %c0_i32_0 = arith.constant 0 : i32
    return %arg0, %arg1, %c0_i32 : i32, i32, i32
  }
}

</mosaic_0001>

<sc_bundles>
// kernel: kernel.4.cloned.1.call-start
scs
__scs_entry_jumppad:
0x0: {  	(pc) =	sbr.rel $0x88, $3  }
0x1: {  	(tag) =	ssettag $0x0;
	lr =	simm.s32 $0x1  }
0x2: {  	[smem:$0x3F9C] =	sst lr;
	_ =	strace $0xD0000000  }
0x3: {  	_ = 	snop  }
0x4: {  	_ = 	snop  }
0x5: {  	_ = 	snop  }
0x6: {  	_ = 	snop  }
0x7: {  	_ = 	snop  }
__scs_overlays_trampoline_lowered:
0x8: {  	[smem:$0x3FAB] =	sst s0  }
0x9: {  	[smem:$0x3FAC] =	sst s1  }
0xa: {  	[smem:$0x3FAD] =	sst s2  }
0xb: {  	[smem:$0x3FAE] =	sst s3  }
0xc: {  	[smem:$0x3FAF] =	sst s4  }
0xd: {  	[smem:$0x3FB0] =	sst s5  }
0xe: {  	[smem:$0x3FB1] =	sst s6  }
0xf: {  	[smem:$0x3FB2] =	sst s7  }
0x10: {  	[smem:$0x3FB3] =	sst s8  }
0x11: {  	[smem:$0x3FB4] =	sst s9;
	s0 =	simm.s32 @!p0 $0x0  }
0x12: {  	s1 =	sld [smem:$0x3F9A];
	s0 =	simm.s32 @p0 $0x1  }
0x13: {  	[smem:$0x3FB5] =	sst s0;
	s0 =	simm.s32 @!p1 $0x0  }
0x14: {  	s2 =	sld [smem:$0x3F99];
	s0 =	simm.s32 @p1 $0x1  }
0x15: {  	[smem:$0x3FB6] =	sst s0;
	s0 =	simm.s32 @!p2 $0x0  }
0x16: {  	s3 =	sld [smem:$0x3FDB];
	s0 =	simm.s32 @p2 $0x1  }
0x17: {  	s4 =	simm.s32 $0x1BF5;
	[smem:$0x3FB8] =	sst s0  }
0x18: {  	s0 =	sld [smem:$0x3F9B];
	_ =	swait.ge [sflag:s4], $0x0  }
0x19: {  	s7 =	sld [smem:$0x3F9C]  }
0x1a: {  	s8 =	sadd.s32 $0xFFFFE003, lr  }
0x1b: {  	s9 =	sadd.s32 $0xFFFFFEF7, lr;
	s5 =	simm.s32 $0xFFFFFFFF;
	p2 =	slt.u32 s8, $0xFFFFF086  }
0x1c: {  	p1 =	slt.u32 s9, $0xF7A;
	s5 =	simm.s32 @!p2 $0x0  }
0x1d: {  	s5 =	simm.s32 @p1 $0x1;
	p0 =	seq.s32 s7, s2  }
0x1e: {  	s7 =	smul.u32 @!p0 $0xF7A, s2;
	p2 =	seq.s32 @!p0 s5, $0x0  }
0x1f: {  	s9 =	smul.u32 $0xF7A, s1;
	s8 =	simm.s32 @!p0 $0x1BF5;
	p2 =	por !p2, p0  }
0x20: {  	[sflag:s8] =	ssyncset.s32 @!p0 $0xFFFFF086;
	s6 =	sadd.s32 @!p0 s3, s7;
	s7 =	simm.s32 @!p0 $0x108  }
0x21: {  	s3 =	sadd.s32 s3, s9;
	s6 =	sadd.s32 @!p0 $0x88, s6;
	s7 =	simm.s32 @p2 $0x1082  }
0x22: {  	[simem:s7], [sflag:s8] =	dma.local @!p0 [hbm:s6], $0xF7A  }
0x23: {  	s9 =	sor.u32 $0xD0000000, s2;
	s6 =	simm.s32 $0x108;
	_ =	swait.ge @!p0 [sflag:s8], $0x0  }
0x24: {  	s3 =	sadd.s32 $0x88, s3;
	s6 =	simm.s32 @!p1 $0x1082;
	[sflag:s4] =	ssyncset.s32 $0xFFFFF086  }
0x25: {  	[simem:s6], [sflag:s4] =	dma.local [hbm:s3], $0xF7A  }
0x26: {  	[smem:$0x3F9C] =	sst s1;
	(tag) =	ssettag s2;
	_ =	strace s9  }
0x27: {  	s1 =	sld [smem:$0x3FAC]  }
0x28: {  	s2 =	sld [smem:$0x3FAD]  }
0x29: {  	s4 =	sld [smem:$0x3FAF]  }
0x2a: {  	p0 =	seq.s32 s5, $0x0;
	s5 =	sld [smem:$0x3FB0]  }
0x2b: {  	s6 =	sld [smem:$0x3FB1]  }
0x2c: {  	s7 =	sld [smem:$0x3FB2]  }
0x2d: {  	s3 =	simm.s32 $0x108;
	s8 =	sld [smem:$0x3FB3]  }
0x2e: {  	s3 =	simm.s32 @!p0 $0x1082;
	s9 =	sld [smem:$0x3FB4]  }
0x2f: {  	lr =	sadd.s32 s0, s3;
	s0 =	sld [smem:$0x3FAB]  }
0x30: {  	s3 =	sld [smem:$0x3FAE]  }
0x31: {  	[smem:$0x3FB7] =	sst s10  }
0x32: {  	s10 =	sld [smem:$0x3FB5];
	_ =	sdelay $0x3  }
0x33: {  	p0 =	seq.s32 s10, $0x1;
	s10 =	sld [smem:$0x3FB7];
	_ =	sdelay $0x3  }
0x34: {  	[smem:$0x3FB7] =	sst s10  }
0x35: {  	s10 =	sld [smem:$0x3FB6];
	_ =	sdelay $0x3  }
0x36: {  	p1 =	seq.s32 s10, $0x1;
	s10 =	sld [smem:$0x3FB7];
	_ =	sdelay $0x3  }
0x37: {  	[smem:$0x3FB7] =	sst s10  }
0x38: {  	s10 =	sld [smem:$0x3FB8]  }
0x39: {  	_ = 	snop;
	(pc) =	sbr.ind lr, $3  }
0x3a: {  	_ = 	snop  }
0x3b: {  	_ = 	snop  }
0x3c: {  	p2 =	seq.s32 s10, $0x1;
	s10 =	sld [smem:$0x3FB7]  }
0x3d: {  	_ =	shalt  }
0x3e: {  	_ =	shalt  }
0x3f: {  	_ =	shalt  }
0x40: {  	_ =	shalt  }
0x41: {  	_ =	shalt  }
0x42: {  	_ =	shalt  }
0x43: {  	_ =	shalt  }
0x44: {  	_ =	shalt  }
0x45: {  	_ =	shalt  }
0x46: {  	_ =	shalt  }
0x47: {  	_ =	shalt  }
0x48: {  	_ =	shalt  }
0x49: {  	_ =	shalt  }
0x4a: {  	_ =	shalt  }
0x4b: {  	_ =	shalt  }
0x4c: {  	_ =	shalt  }
0x4d: {  	_ =	shalt  }
0x4e: {  	_ =	shalt  }
0x4f: {  	_ =	shalt  }
0x50: {  	_ =	shalt  }
0x51: {  	_ =	shalt  }
0x52: {  	_ =	shalt  }
0x53: {  	_ =	shalt  }
0x54: {  	_ =	shalt  }
0x55: {  	_ =	shalt  }
0x56: {  	_ =	shalt  }
0x57: {  	_ =	shalt  }
0x58: {  	_ =	shalt  }
0x59: {  	_ =	shalt  }
0x5a: {  	_ =	shalt  }
0x5b: {  	_ =	shalt  }
0x5c: {  	_ =	shalt  }
0x5d: {  	_ =	shalt  }
0x5e: {  	_ =	shalt  }
0x5f: {  	_ =	shalt  }
0x60: {  	_ =	shalt  }
0x61: {  	_ =	shalt  }
0x62: {  	_ =	shalt  }
0x63: {  	_ =	shalt  }
0x64: {  	_ =	shalt  }
0x65: {  	_ =	shalt  }
0x66: {  	_ =	shalt  }
0x67: {  	_ =	shalt  }
0x68: {  	_ =	shalt  }
0x69: {  	_ =	shalt  }
0x6a: {  	_ =	shalt  }
0x6b: {  	_ =	shalt  }
0x6c: {  	_ =	shalt  }
0x6d: {  	_ =	shalt  }
0x6e: {  	_ =	shalt  }
0x6f: {  	_ =	shalt  }
0x70: {  	_ =	shalt  }
0x71: {  	_ =	shalt  }
0x72: {  	_ =	shalt  }
0x73: {  	_ =	shalt  }
0x74: {  	_ =	shalt  }
0x75: {  	_ =	shalt  }
0x76: {  	_ =	shalt  }
0x77: {  	_ =	shalt  }
0x78: {  	_ =	shalt  }
0x79: {  	_ =	shalt  }
0x7a: {  	_ =	shalt  }
0x7b: {  	_ =	shalt  }
0x7c: {  	_ =	shalt  }
0x7d: {  	_ =	shalt  }
0x7e: {  	_ =	shalt  }
0x7f: {  	_ =	shalt  }
0x80: {  	_ =	shalt  }
0x81: {  	_ =	shalt  }
0x82: {  	_ =	shalt  }
0x83: {  	_ =	shalt  }
0x84: {  	_ =	shalt  }
0x85: {  	_ =	shalt  }
0x86: {  	_ =	shalt  }
0x87: {  	_ =	shalt  }
.Lfunc_end0:
.L_simem_size_0:
called_computation_lowered:
.L_overlay_start_0:
0x88: {  	s2 =	sld [smem:$0x3FD9]  }
0x89: {  	s3 =	sld [smem:$0x3FFE];
	_ =	sdelay $0x1  }
0x8a: {  	s1 =	srdreg.scid  }
0x8b: {  	s0 =	sand.u32 $0x1, s1  }
0x8c: {  	s17 =	sshll.u32 s0, $0xA;
	s2 =	sadd.s32 s3, s2  }
0x8d: {  	s2 =	sadd.s32 s2, s17  }
0x8e: {  	[smem:$0x3FC3] =	sst s2  }
0x8f: {  	_ = 	snop  }
0x90: {  	s2 =	sld [smem:$0x3FD0];
	(tm) =	ssettm $0x1  }
0x91: {  	s18 =	sld [smem:$0x3FFB];
	_ =	sdelay $0x3  }
0x92: {  	_ =	strace s18  }
0x93: {  	s3 =	sld [smem:$0x3FFC];
	_ =	sdelay $0x3  }
0x94: {  	_ =	strace s3  }
0x95: {  	s3 =	sld [smem:$0x3FFD];
	_ =	sdelay $0x3  }
0x96: {  	_ =	strace s3  }
0x97: {  	_ =	strace $0x8FFFFFFF  }
0x98: {  	s19 =	sld [smem:$0x3FDB];
	_ =	sdelay $0x1  }
0x99: {  	s4 =	simm.s32 $_scs_section_size  }
0x9a: {  	s5 =	simm.s32 $_size__tile_overlayer_lowered;
	s6 =	simm.s32 $_tile_overlayer_lowered  }
0x9b: {  	s22 =	simm.s32 $0x1BFF;
	s21 =	sshll.u32 s6, $0x1;
	s3 =	sadd.s32 s4, s19  }
0x9c: {  	s7 =	simm.s32 $0x0;
	s20 =	sshll.u32 s5, $0x1;
	s5 =	sadd.s32 s21, s3  }
0x9d: {  	[timem:s7], [sflag:s22] =	dma.local [hbm:s5], s20  }
0x9e: {  	_ =	swait.ge [sflag:s22], s20  }
0x9f: {  	s4 =	ssub.s32 $0x0, s20;
	[sflag:s22] =	ssyncset.done $0x0  }
0xa0: {  	[sflag:s22] =	ssyncadd.s32 s4;
	_ =	sdelay $0x1  }
0xa1: {  	s23 =	simm.s32 $0x1B8B  }
0xa2: {  	_ =	swait.ge [sflag:s23], $0x1  }
0xa3: {  	[sflag:s23] =	ssyncset.done $0x0  }
0xa4: {  	s25 =	simm.s32 $0x1B8E;
	s24 =	sld [smem:$0x3FFE];
	[sflag:s23] =	ssyncadd.s32 $0xFFFFFFFF  }
0xa5: {  	s26 =	simm.s32 $execute0_lowered;
	[smem:$0x3FD2] =	sst s25  }
0xa6: {  	s5 =	sshll.u32 s26, $0x1;
	_ =	strace $0x80000046;
	[dreg:$0x1] =	wrdreg $0xFFFFFFFF  }
0xa7: {  	s28 =	simm.s32 $_size_execute0_lowered;
	s3 =	sadd.s32 s3, s5;
	[dreg:$0x0] =	wrdreg $0x0  }
0xa8: {  	s5 =	sshll.u32 s28, $0x1;
	[dreg:$0x2] =	wrdreg s3  }
0xa9: {  	[dreg:$0x3] =	wrdreg s5  }
0xaa: {  	[dreg:$0x4] =	wrdreg $0xC0  }
0xab: {  	_ =	task [dreg:s7], $0x5FFFF  }
0xac: {  	[dreg:$0x1] =	wrdreg $0xFFFFFFFF  }
0xad: {  	[dreg:$0x0] =	wrdreg $0x60  }
0xae: {  	[dreg:$0x2] =	wrdreg s24  }
0xaf: {  	[dreg:$0x3] =	wrdreg s2  }
0xb0: {  	[dreg:$0x4] =	wrdreg $0x9  }
0xb1: {  	_ =	task.clear_ibuf [dreg:s7], $0x5FFFF;
	_ =	strace $0x90000046  }
0xb2: {  	s29 =	simm.s32 $0x9;
	_ =	strace $0x80000048  }
0xb3: {  	_ =	swait.ge [sflag:s29], $0x1  }
0xb4: {  	[sflag:s29] =	ssyncadd.s32 $0xFFFFFFFF  }
0xb5: {  	_ =	strace $0x90000048  }
0xb6: {  	_ =	sfence  }
0xb7: {  	s30 =	sld [smem:$0x0];
	_ =	sdelay $0x2  }
0xb8: {  	s31 =	sshll.u32 s1, $0xD;
	s1 =	sshrl.u32 s1, $0x2  }
0xb9: {  	s3 =	sand.u32 $0x4000, s31;
	s1 =	sadd.s32 s1, s30  }
0xba: {  	s0 =	sor.u32 s3, s0;
	s1 =	sshll.u32 s1, $0x11  }
0xbb: {  	s0 =	sor.u32 s1, s0  }
0xbc: {  	s0 =	sadd.s32 $0x8F2B, s0  }
0xbd: {  	[sflag:s0] =	ssyncadd.remote.s32 $0x1  }
0xbe: {  	_ =	sfence.sel $0xFFFF  }
0xbf: {  	[dreg:$0x0] =	wrdreg $0xFFFFFFFF;
	(pc) =	sbr.abs _section_cstart, $3  }
0xc0: {  	[dreg:$0x1] =	wrdreg $0xFFFFFFFF  }
0xc1: {  	_ =	task.clear_ibuf [dreg:s7], $0x2FFFF;
	_ =	strace $0x9FFFFFFF  }
0xc2: {  	(tm) =	ssettm $0x7FFFFFFF  }
0xc3: {  	_ =	shalt  }
tec
execute0_lowered:
.L_overlay_start_1:
0x0: {  	(tag) =	ssettag $0x1  }
0x1: {  	s4 =	rddreg [dreg:$0x0]  }
0x2: {  	s5 =	rddreg [dreg:$0x1]  }
0x3: {  	s0 =	rddreg [dreg:$0x2]  }
0x4: {  	s2 =	simm.s32 $0x0;
	s3 =	srdreg.scid;
	s1 =	stileid.u32  }
0x5: {  	s10 =	simm.s32 $0x1;
	s11 =	simm.s32 $0x3000;
	s12 =	simm.s32 $0x0  }
0x6: {  	[smem:$0x7FF] =	sst s2;
	s3 =	sand.u32 $0x1, s3;
	s6 =	sshll.u32 s1, $0x1  }
0x7: {  	_ =	strace $0x80000047;
	s6 =	sor.u32 s3, s6;
	s7 =	ssub.s32 $0x2, s3  }
0x8: {  	s3 =	sadd.s32 $0x1000, s4;
	s8 =	sshll.u32 s6, $0x9;
	s9 =	sshrl.u32 s7, $0x1  }
0x9: {  	s6 =	sshll.u32 s6, $0xC;
	s4 =	sadd.s32 s8, s4;
	s7 =	ssub.s32 s7, s9  }
0xa: {  	s5 =	sadd.s32 s5, s6;
	s8 =	simm.s32 $0x80;
	s9 =	simm.s32 $0x1000  }
0xb: {  	s4 =	sadd.s32 $0x81000, s4;
	s6 =	smax.u32 s7, $0x1;
	s7 =	simm.s32 $0x2  }
.LBB2_1:
0xc: {  	[tilespmem:s2], [sflag:$0x2] =	stream.linear.gather [hbm4b:s4+s2], $0x1000, $0x38;
	[tilespmem:$0x3400] =	vst v63  }
0xd: {  	_ =	swait.ge [sflag:s7], $0x1000  }
0xe: {  	[sflag:s7] =	ssyncset.done $0x0  }
0xf: {  	s13 =	simm.s32 $0x0;
	[sflag:s7] =	ssyncadd.s32 $0xFFFFF000  }
.LBB2_2:
0x10: {  	s14 =	sshll.u32 s13, $0x7  }
0x11: {  	s15 =	sand.u32 $0x3FFFFF80, s14  }
0x12: {  	[tilespmem:s9], [sflag:$0x1] =	stream.indirect.gather [hbm4b:s3+s8], $0x40, s15, s8, $0xb8;
	[tilespmem:$0x3400] =	vst v63  }
0x13: {  	_ =	swait.ge [sflag:s10], $0x2000  }
0x14: {  	[sflag:s10] =	ssyncset.done $0x0  }
0x15: {  	s15 =	simm.s32 $0x1100;
	[sflag:s10] =	ssyncadd.s32 $0xFFFFE000  }
0x16: {  	v0 =	vld [tilespmem:s15+$0xFFFFFF40]  }
0x17: {  	v1 =	vld [tilespmem:s15+$0xFFFFFF00];
	_ =	sdelay $0x1  }
0x18: {  	v2 =	vld [tilespmem:s15+$0xFFFFFF80];
	_ =	sdelay $0x1  }
0x19: {  	v3 =	vld [tilespmem:s15+$0xFFFFFFC0]  }
0x1a: {  	v0 =	vadd.f32 v0, v1  }
0x1b: {  	v1 =	vld [tilespmem:s15+$0x0]  }
0x1c: {  	v0 =	vadd.f32 v2, v0  }
0x1d: {  	v2 =	vld [tilespmem:s15+$0x40]  }
0x1e: {  	v0 =	vadd.f32 v3, v0  }
0x1f: {  	v3 =	vld [tilespmem:s15+$0x80]  }
0x20: {  	v0 =	vadd.f32 v1, v0  }
0x21: {  	v1 =	vld [tilespmem:s15+$0xC0]  }
0x22: {  	v0 =	vadd.f32 v2, v0;
	_ =	sdelay $0x1  }
0x23: {  	v0 =	vadd.f32 v3, v0;
	_ =	sdelay $0x1  }
0x24: {  	v0 =	vadd.f32 v1, v0;
	_ =	sdelay $0x1  }
0x25: {  	v0 =	vmul.f32 $1.250000000e-01, v0  }
0x26: {  	s16 =	simm.s32 $0x0  }
0x27: {  	[tilespmem:s16+$0x3000] =	vst v0  }
0x28: {  	v0 =	vld [tilespmem:s15+$0xFFFFFF10]  }
0x29: {  	v1 =	vld [tilespmem:s15+$0xFFFFFF50];
	_ =	sdelay $0x1  }
0x2a: {  	v2 =	vld [tilespmem:s15+$0xFFFFFF90];
	_ =	sdelay $0x1  }
0x2b: {  	v3 =	vld [tilespmem:s15+$0xFFFFFFD0]  }
0x2c: {  	v0 =	vadd.f32 v1, v0  }
0x2d: {  	v1 =	vld [tilespmem:s15+$0x10]  }
0x2e: {  	v0 =	vadd.f32 v2, v0  }
0x2f: {  	v2 =	vld [tilespmem:s15+$0x50]  }
0x30: {  	v0 =	vadd.f32 v3, v0  }
0x31: {  	v3 =	vld [tilespmem:s15+$0x90]  }
0x32: {  	v0 =	vadd.f32 v1, v0  }
0x33: {  	v1 =	vld [tilespmem:s15+$0xD0]  }
0x34: {  	v0 =	vadd.f32 v2, v0;
	_ =	sdelay $0x1  }
0x35: {  	v0 =	vadd.f32 v3, v0;
	_ =	sdelay $0x1  }
0x36: {  	v0 =	vadd.f32 v1, v0;
	_ =	sdelay $0x1  }
0x37: {  	v0 =	vmul.f32 $1.250000000e-01, v0;
	_ =	sdelay $0x1  }
0x38: {  	[tilespmem:s16+$0x3010] =	vst v0  }
0x39: {  	v0 =	vld [tilespmem:s15+$0xFFFFFF20]  }
0x3a: {  	v1 =	vld [tilespmem:s15+$0xFFFFFF60];
	_ =	sdelay $0x1  }
0x3b: {  	v2 =	vld [tilespmem:s15+$0xFFFFFFA0];
	_ =	sdelay $0x1  }
0x3c: {  	v3 =	vld [tilespmem:s15+$0xFFFFFFE0]  }
0x3d: {  	v0 =	vadd.f32 v1, v0  }
0x3e: {  	v1 =	vld [tilespmem:s15+$0x20]  }
0x3f: {  	v0 =	vadd.f32 v2, v0  }
0x40: {  	v2 =	vld [tilespmem:s15+$0x60]  }
0x41: {  	v0 =	vadd.f32 v3, v0  }
0x42: {  	v3 =	vld [tilespmem:s15+$0xA0]  }
0x43: {  	v0 =	vadd.f32 v1, v0  }
0x44: {  	v1 =	vld [tilespmem:s15+$0xE0]  }
0x45: {  	v0 =	vadd.f32 v2, v0;
	_ =	sdelay $0x1  }
0x46: {  	v0 =	vadd.f32 v3, v0;
	_ =	sdelay $0x1  }
0x47: {  	v0 =	vadd.f32 v1, v0;
	_ =	sdelay $0x1  }
0x48: {  	v0 =	vmul.f32 $1.250000000e-01, v0;
	_ =	sdelay $0x1  }
0x49: {  	[tilespmem:s16+$0x3020] =	vst v0  }
0x4a: {  	v0 =	vld [tilespmem:s15+$0xFFFFFF30]  }
0x4b: {  	v1 =	vld [tilespmem:s15+$0xFFFFFF70];
	_ =	sdelay $0x1  }
0x4c: {  	v2 =	vld [tilespmem:s15+$0xFFFFFFB0];
	_ =	sdelay $0x1  }
0x4d: {  	v3 =	vld [tilespmem:s15+$0xFFFFFFF0]  }
0x4e: {  	v0 =	vadd.f32 v1, v0  }
0x4f: {  	v1 =	vld [tilespmem:s15+$0x30]  }
0x50: {  	v0 =	vadd.f32 v2, v0  }
0x51: {  	v2 =	vld [tilespmem:s15+$0x70]  }
0x52: {  	v0 =	vadd.f32 v3, v0;
	_ =	sdelay $0x1  }
0x53: {  	v3 =	vld [tilespmem:s15+$0xB0];
	v0 =	vadd.f32 v1, v0;
	_ =	sdelay $0x1  }
0x54: {  	v1 =	vadd.f32 v2, v0;
	v0 =	vld [tilespmem:s15+$0xF0];
	_ =	sdelay $0x2  }
0x55: {  	s17 =	simm.s32 $0x100;
	v1 =	vadd.f32 v3, v1  }
.LBB2_3:
0x56: {  	p0 =	sne.s32 s17, $0xF00  }
0x57: {  	s15 =	sadd.s32 $0x200, s15;
	s18 =	smov.u32 s17;
	s17 =	sadd.s32 $0x100, s17;
	v0 =	vadd.f32 v0, v1  }
0x58: {  	_ = 	snop  }
0x59: {  	v0 =	vmul.f32 $1.250000000e-01, v0;
	_ =	sdelay $0x1  }
0x5a: {  	[tilespmem:s16+$0x3030] =	vst v0  }
0x5b: {  	v0 =	vld [tilespmem:s15+$0xFFFFFF40]  }
0x5c: {  	v1 =	vld [tilespmem:s15+$0xFFFFFF00];
	_ =	sdelay $0x1  }
0x5d: {  	v2 =	vld [tilespmem:s15+$0xFFFFFF80];
	_ =	sdelay $0x1  }
0x5e: {  	v3 =	vld [tilespmem:s15+$0xFFFFFFC0]  }
0x5f: {  	v0 =	vadd.f32 v0, v1  }
0x60: {  	v1 =	vld [tilespmem:s15+$0x0]  }
0x61: {  	v0 =	vadd.f32 v2, v0  }
0x62: {  	v2 =	vld [tilespmem:s15+$0x40]  }
0x63: {  	v0 =	vadd.f32 v3, v0  }
0x64: {  	v3 =	vld [tilespmem:s15+$0x80]  }
0x65: {  	v0 =	vadd.f32 v1, v0  }
0x66: {  	v1 =	vld [tilespmem:s15+$0xC0]  }
0x67: {  	v0 =	vadd.f32 v2, v0;
	_ =	sdelay $0x1  }
0x68: {  	v0 =	vadd.f32 v3, v0;
	_ =	sdelay $0x1  }
0x69: {  	v0 =	vadd.f32 v1, v0;
	_ =	sdelay $0x1  }
0x6a: {  	v0 =	vmul.f32 $1.250000000e-01, v0  }
0x6b: {  	s16 =	sshra.s32 s18, $0x2  }
0x6c: {  	[tilespmem:s16+$0x3000] =	vst v0  }
0x6d: {  	v0 =	vld [tilespmem:s15+$0xFFFFFF10]  }
0x6e: {  	v1 =	vld [tilespmem:s15+$0xFFFFFF50];
	_ =	sdelay $0x1  }
0x6f: {  	v2 =	vld [tilespmem:s15+$0xFFFFFF90];
	_ =	sdelay $0x1  }
0x70: {  	v3 =	vld [tilespmem:s15+$0xFFFFFFD0]  }
0x71: {  	v0 =	vadd.f32 v1, v0  }
0x72: {  	v1 =	vld [tilespmem:s15+$0x10]  }
0x73: {  	v0 =	vadd.f32 v2, v0  }
0x74: {  	v2 =	vld [tilespmem:s15+$0x50]  }
0x75: {  	v0 =	vadd.f32 v3, v0  }
0x76: {  	v3 =	vld [tilespmem:s15+$0x90]  }
0x77: {  	v0 =	vadd.f32 v1, v0  }
0x78: {  	v1 =	vld [tilespmem:s15+$0xD0]  }
0x79: {  	v0 =	vadd.f32 v2, v0;
	_ =	sdelay $0x1  }
0x7a: {  	v0 =	vadd.f32 v3, v0;
	_ =	sdelay $0x1  }
0x7b: {  	v0 =	vadd.f32 v1, v0;
	_ =	sdelay $0x1  }
0x7c: {  	v0 =	vmul.f32 $1.250000000e-01, v0;
	_ =	sdelay $0x1  }
0x7d: {  	[tilespmem:s16+$0x3010] =	vst v0  }
0x7e: {  	v0 =	vld [tilespmem:s15+$0xFFFFFF20]  }
0x7f: {  	v1 =	vld [tilespmem:s15+$0xFFFFFF60];
	_ =	sdelay $0x1  }
0x80: {  	v2 =	vld [tilespmem:s15+$0xFFFFFFA0];
	_ =	sdelay $0x1  }
0x81: {  	v3 =	vld [tilespmem:s15+$0xFFFFFFE0]  }
0x82: {  	v0 =	vadd.f32 v1, v0  }
0x83: {  	v1 =	vld [tilespmem:s15+$0x20]  }
0x84: {  	v0 =	vadd.f32 v2, v0  }
0x85: {  	v2 =	vld [tilespmem:s15+$0x60]  }
0x86: {  	v0 =	vadd.f32 v3, v0  }
0x87: {  	v3 =	vld [tilespmem:s15+$0xA0]  }
0x88: {  	v0 =	vadd.f32 v1, v0  }
0x89: {  	v1 =	vld [tilespmem:s15+$0xE0]  }
0x8a: {  	v0 =	vadd.f32 v2, v0;
	_ =	sdelay $0x1  }
0x8b: {  	v0 =	vadd.f32 v3, v0;
	_ =	sdelay $0x1  }
0x8c: {  	v0 =	vadd.f32 v1, v0;
	_ =	sdelay $0x1  }
0x8d: {  	v0 =	vmul.f32 $1.250000000e-01, v0;
	_ =	sdelay $0x1  }
0x8e: {  	[tilespmem:s16+$0x3020] =	vst v0  }
0x8f: {  	v0 =	vld [tilespmem:s15+$0xFFFFFF30]  }
0x90: {  	v1 =	vld [tilespmem:s15+$0xFFFFFF70]  }
0x91: {  	v2 =	vld [tilespmem:s15+$0xFFFFFFB0]  }
0x92: {  	v3 =	vld [tilespmem:s15+$0xFFFFFFF0]  }
0x93: {  	v4 =	vld [tilespmem:s15+$0x30]  }
0x94: {  	v5 =	vld [tilespmem:s15+$0x70]  }
0x95: {  	v1 =	vadd.f32 v1, v0;
	v6 =	vld [tilespmem:s15+$0xB0]  }
0x96: {  	v0 =	vld [tilespmem:s15+$0xF0]  }
0x97: {  	v1 =	vadd.f32 v2, v1;
	_ =	sdelay $0x1  }
0x98: {  	v1 =	vadd.f32 v3, v1;
	_ =	sdelay $0x1  }
.Ltmp0:
0x99: {  	v1 =	vadd.f32 v4, v1;
	(pc) =	sbr.rel @p0 .LBB2_3-.Ltmp0, $3  }
0x9a: {  	_ = 	snop  }
0x9b: {  	v1 =	vadd.f32 v5, v1;
	_ =	sdelay $0x1  }
0x9c: {  	v1 =	vadd.f32 v6, v1  }
0x9d: {  	_ = 	snop  }
0x9e: {  	v0 =	vadd.f32 v0, v1;
	_ =	sdelay $0x1  }
0x9f: {  	s13 =	sadd.s32 $0x1, s13;
	v0 =	vmul.f32 $1.250000000e-01, v0  }
0xa0: {  	p0 =	sne.s32 s13, $0x20  }
.Ltmp1:
0xa1: {  	s14 =	sadd.s32 s14, s5;
	[tilespmem:s16+$0x3030] =	vst v0;
	(pc) =	sbr.rel @p0 .LBB2_2-.Ltmp1, $4  }
0xa2: {  	[hbm4b:s14+s2] =	stream.linear.scatter [tilespmem:s11], [sflag:$0x2], $0x400, $0x38;
	[tilespmem:$0x3400] =	vst v63  }
0xa3: {  	_ =	swait.ge [sflag:s7], $0x400  }
0xa4: {  	[sflag:s7] =	ssyncset.done $0x0  }
0xa5: {  	[sflag:s7] =	ssyncadd.s32 $0xFFFFFC00  }
0xa6: {  	s12 =	sadd.s32 $0x1, s12  }
0xa7: {  	p0 =	sne.s32 s12, s6  }
.Ltmp2:
0xa8: {  	_ = 	snop;
	(pc) =	sbr.rel @p0 .LBB2_1-.Ltmp2, $1  }
0xa9: {  	_ =	sdelay $0x3  }
0xaa: {  	_ =	sfence.sel $0x180000  }
0xab: {  	[bflag:$0x0] =	sbarrier.arrive $0xFFFF  }
0xac: {  	p0 =	sne.s32 s1, $0x0;
	_ =	strace $0x90000047  }
0xad: {  	s0 =	sadd.s32 @!p0 $0x100000, s0;
	[bflag:$0x2] =	sbarrier.arrive $0xFFFF  }
0xae: {  	[sflag:s0] =	ssyncadd.tile.s32 @!p0 $0x1;
	_ =	shalt  }
.Lfunc_end2:
_tile_overlayer_lowered:
.L_overlay_start_2:
0xaf: {  	(tag) =	ssettag $0x2  }
0xb0: {  	s0 =	rddreg [dreg:$0x0];
	s2 =	stileid.u32  }
0xb1: {  	s1 =	rddreg [dreg:$0x1];
	p0 =	sne.s32 s2, $0x0  }
0xb2: {  	s3 =	rddreg [dreg:$0x2];
	[bflag:$0x3] =	sbarrier.arrive $0xFFFF;
	s2 =	simm.s32 @!p0 $0x1C02  }
0xb3: {  	[timem:s3], [sflag:s2] =	dma.local @!p0 [hbm:s0], s1  }
0xb4: {  	s0 =	simm.s32 @!p0 $0x2  }
0xb5: {  	_ =	swait.ge @!p0 [sflag:s0], s1  }
0xb6: {  	s1 =	ssub.s32 @!p0 $0x0, s1;
	[sflag:s0] =	ssyncset.done @!p0 $0x0  }
0xb7: {  	[sflag:s0] =	ssyncadd.s32 @!p0 s1  }
0xb8: {  	[bflag:$0x3] =	sbarrier.arrive $0xFFFF  }
0xb9: {  	_ =	shalt  }

</sc_bundles>
